<compile_context>
chip_gen: v7x
topology: tpu7x:2x2x1
jax: 0.10.2.dev20260603
libtpu: 0.0.44.dev20260713+nightly
codegen_flags: <defaults>
</compile_context>

<pallas_src>
import functools

import numpy as np
import jax
import jax.numpy as jnp
from jax import lax
from jax.experimental import pallas as pl
from jax.experimental.pallas import tpu as pltpu
from jax.experimental.pallas import tpu_sc as plsc

L = 512
A = 8
B = 16
D = 1536
H = D // 2
N_SPANS = 4068
N_PAD = 4096
NV = N_PAD // 16
NV_REG = 252
TAILE = N_PAD - NV_REG * 16


def _tail_index_table():
    m = np.zeros((L, L), dtype=bool)
    for i in range(L):
        m[i, i:min(L, i + A)] = True
    idx = np.argwhere(m)
    si = idx[:, 0].astype(np.int32)
    ei = idx[:, 1].astype(np.int32)
    si = np.concatenate([si, np.full((N_PAD - N_SPANS,), L, np.int32)])
    ei = np.concatenate([ei, np.zeros((N_PAD - N_SPANS,), np.int32)])
    return np.concatenate([si[NV_REG * 16:], ei[NV_REG * 16:]])


_TAIL_NP = _tail_index_table()


RB = 4


def _scores_body(emb_ref, maskf_ref, w_ref, s_ref, e_ref):
    w = w_ref[...]
    for r in range(RB):
        x = emb_ref[r]
        s = jnp.dot(x[:, :H], w, preferred_element_type=jnp.float32)
        e = jnp.dot(x[:, H:], w, preferred_element_type=jnp.float32)
        neg = (maskf_ref[r, 0] - 1.0) * 1e7
        s_ref[r, 0] = s[:, 0] + neg
        e_ref[r, 0] = e[:, 0] + neg


GROUPS = 1
GB = B // GROUPS


def _scores(emb, maskf3, w, g):
    return pl.pallas_call(
        _scores_body,
        grid=(GB // RB,),
        in_specs=[
            pl.BlockSpec((RB, L, D), lambda i: ((g * GB) // RB + i, 0, 0)),
            pl.BlockSpec((RB, 1, L), lambda i: ((g * GB) // RB + i, 0, 0)),
            pl.BlockSpec((H, 1), lambda i: (0, 0)),
        ],
        out_specs=[
            pl.BlockSpec((RB, 1, L), lambda i: (i, 0, 0)),
            pl.BlockSpec((RB, 1, L), lambda i: (i, 0, 0)),
        ],
        out_shape=[
            jax.ShapeDtypeStruct((GB, 1, L), jnp.float32),
            jax.ShapeDtypeStruct((GB, 1, L), jnp.float32),
        ],
    )(emb, maskf3, w)


NVH = NV // 2
TAILV = NV - NV_REG
REG1 = NVH - TAILV


def _band_softmax_body(s_hbm, e_hbm, tail_hbm, out_hbm,
                       s_v, e_v, tail_v, o_v, acc_v, sums_sh):
    sid = lax.axis_index("s")
    half = sid & 1
    row = lax.axis_index("c") * 8 + (sid >> 1)

    @pl.when(row < GB)
    def _():
        s_v[pl.ds(L, 16)] = jnp.full((16,), -1e30, jnp.float32)
        pltpu.sync_copy(s_hbm.at[row], s_v.at[pl.ds(0, L)])
        pltpu.sync_copy(e_hbm.at[row], e_v.at[pl.ds(0, L)])
        pltpu.sync_copy(tail_hbm, tail_v)

        iota = jnp.arange(16, dtype=jnp.int32)
        hi = iota >> 3
        a7 = iota & 7

        base = half * NVH

        def pass1(t, acc):
            k = base + t
            iv = hi + 2 * k
            jv = iv + a7
            p = jnp.exp(plsc.load_gather(s_v, [iv])
                        + plsc.load_gather(e_v, [jv]))
            o_v[pl.ds(t * 16, 16)] = p
            return acc + p

        acc = lax.fori_loop(0, NVH - TAILV * half, pass1,
                            jnp.zeros((16,), jnp.float32))

        def tailp(t, acc):
            siv = tail_v[pl.ds(t * 16, 16)]
            eiv = tail_v[pl.ds(TAILE + t * 16, 16)]
            p = jnp.exp(plsc.load_gather(s_v, [siv])
                        + plsc.load_gather(e_v, [eiv]))
            o_v[pl.ds((REG1 + t) * 16, 16)] = p
            return acc + p

        acc = lax.fori_loop(0, TAILV * half, tailp, acc)

        acc_v[...] = acc
        pltpu.sync_copy(acc_v,
                        sums_sh.at[pl.ds(pl.multiple_of(sid * 16, 16), 16)])
        plsc.subcore_barrier()
        pltpu.sync_copy(
            sums_sh.at[pl.ds(pl.multiple_of((sid ^ 1) * 16, 16), 16)], acc_v)
        partner = acc_v[...]

        inv = jnp.full((16,), 1.0, jnp.float32) / jnp.broadcast_to(
            jnp.sum(acc + partner), (16,))

        def pass2(t, c):
            o_v[pl.ds(t * 16, 16)] = o_v[pl.ds(t * 16, 16)] * inv
            return c

        lax.fori_loop(0, NVH, pass2, 0)
        pltpu.sync_copy(o_v, out_hbm.at[row * 2 + half])


def _band_softmax(s2, e2, tail):
    mesh = plsc.VectorSubcoreMesh(core_axis_name="c", subcore_axis_name="s")
    f = functools.partial(
        pl.kernel,
        mesh=mesh,
        compiler_params=pltpu.CompilerParams(needs_layout_passes=False),
        out_type=jax.ShapeDtypeStruct((2 * GB, N_PAD // 2), jnp.float32),
        scratch_types=[
            pltpu.VMEM((L + 16,), jnp.float32),
            pltpu.VMEM((L + 16,), jnp.float32),
            pltpu.VMEM((2 * TAILE,), jnp.int32),
            pltpu.VMEM((NVH * 16,), jnp.float32),
            pltpu.VMEM((16,), jnp.float32),
            pltpu.VMEM_SHARED((16 * 16,), jnp.float32),
        ],
    )(_band_softmax_body)
    return f(s2, e2, tail)


def kernel(embeddings, mask, W, b):
    maskf3 = mask.astype(jnp.float32).reshape(B, 1, L)
    tail = jnp.asarray(_TAIL_NP)
    outs = []
    for g in range(GROUPS):
        s3, e3 = _scores(embeddings, maskf3, W, g)
        out32 = _band_softmax(s3.reshape(GB, L), e3.reshape(GB, L), tail)
        outs.append(out32.reshape(GB, N_PAD))
    return jnp.concatenate(outs, axis=0)[:, :N_SPANS]

# --- scband reference (transcript-rebuilt; emitter-appended) ---
"""Pipeline reference for scband-pointer2-d-87342454932158 (READ-ONLY COPY).

The authoritative reference and input builder live on the scoring server;
editing this copy changes nothing except your own understanding.
"""

import jax, jax.numpy as jnp
import numpy as np

L = 512
A = 8
B = 16
D = 1536

def _band_indices():
    m = np.zeros((L, L), dtype=bool)
    for i in range(L):
        m[i, i:min(L, i + A)] = True
    idx = np.argwhere(m)  # row-major order, matches tf.where on band_part
    return jnp.asarray(idx[:, 0], dtype=jnp.int32), jnp.asarray(idx[:, 1], dtype=jnp.int32)


def setup_inputs(seed: int = 0) -> dict:
    key = jax.random.key(seed)
    k1, k2 = jax.random.split(key, 2)
    embeddings = jax.random.normal(k1, (B, L, D), dtype=jnp.float32)
    mask = jnp.ones((B, L), dtype=bool)
    W = jax.random.normal(k2, (D // 2, 1), dtype=jnp.float32) * 0.02
    b = jnp.zeros((1,), dtype=jnp.float32)
    return {"embeddings": embeddings, "mask": mask, "W": W, "b": b}


def reference(embeddings, mask, W, b):
    start_idx, end_idx = _band_indices()
    start, end = jnp.split(embeddings, 2, axis=-1)
    _start = jnp.take(start, start_idx, axis=1)
    _end = jnp.take(end, end_idx, axis=1)
    states = _start + _end
    logits = jnp.squeeze(states @ W + b, -1)
    _start_mask = jnp.take(mask, start_idx, axis=1)
    _end_mask = jnp.take(mask, end_idx, axis=1)
    _mask = (_start_mask & _end_mask).astype(logits.dtype)
    logits = logits - 10000000.0 * (1.0 - _mask)
    return jax.nn.softmax(logits, axis=-1)

if __name__ == "__main__":
    import jax
    _d = setup_inputs()
    print(jax.jit(kernel)(*tuple(_d.values())))

</pallas_src>

<mosaic_0001>
#map = affine_map<(d0, d1) -> (0, 0)>
#map1 = affine_map<(d0, d1) -> (0)>
module attributes {stable_mosaic.version = 14 : i64} {
  func.func @_band_softmax_body(%arg0: i32, %arg1: i32, %arg2: memref<16x512xf32, #tpu.memory_space<hbm>>, %arg3: memref<16x512xf32, #tpu.memory_space<hbm>>, %arg4: memref<128xi32, #tpu.memory_space<hbm>>, %arg5: memref<32x2048xf32, #tpu.memory_space<hbm>>, %arg6: memref<528xf32, #tpu.memory_space<vmem>>, %arg7: memref<528xf32, #tpu.memory_space<vmem>>, %arg8: memref<128xi32, #tpu.memory_space<vmem>>, %arg9: memref<2048xf32, #tpu.memory_space<vmem>>, %arg10: memref<16xf32, #tpu.memory_space<vmem>>, %arg11: memref<256xf32, #tpu.memory_space<vmem_shared>>) attributes {dimension_semantics = [#tpu.dimension_semantics<core_parallel>, #tpu.dimension_semantics<subcore_parallel>], iteration_bounds = array<i64: 2, 16>, scalar_prefetch = 0 : i64, scratch_operands = 6 : i64, tpu.core_type = #tpu.core_type<sc_vector_subcore>, window_params = [{transform_indices = #map}, {transform_indices = #map}, {transform_indices = #map1}, {transform_indices = #map}]} {
    %and3A = arith.constant 1 : i32
    %and3A_0 = arith.andi %arg1, %and3A : i32
    %mul3A = arith.constant 8 : i32
    %mul3A_1 = arith.muli %arg0, %mul3A : i32
    %shift_right_arithmetic3A = arith.constant 1 : i32
    %shift_right_arithmetic3A_2 = arith.shrsi %arg1, %shift_right_arithmetic3A : i32
    %add3A = arith.addi %mul3A_1, %shift_right_arithmetic3A_2 : i32
    %lt3A = arith.constant 16 : i32
    %lt3A_3 = arith.cmpi slt, %add3A, %lt3A : i32
    %convert_element_type3A = arith.extui %lt3A_3 : i1 to i32
    %cond3A = arith.constant 0 : i32
    %cond3A_4 = arith.cmpi ne, %convert_element_type3A, %cond3A : i32
    scf.if %cond3A_4 {
      %broadcast_in_dim3A = arith.constant -1.000000e+30 : f32
      %broadcast_in_dim3A_5 = vector.broadcast %broadcast_in_dim3A : f32 to vector<16xf32>
      %swap3A = arith.constant 512 : index
      %swap3A_6 = tpu.vector_load %arg6[%swap3A] {strides = array<i32>} : memref<528xf32, #tpu.memory_space<vmem>>, vector<16xf32>,
      tpu.vector_store %arg6[%swap3A], %broadcast_in_dim3A_5 {strides = array<i32>} : memref<528xf32, #tpu.memory_space<vmem>>, vector<16xf32>,
      "tpu.region"() ({
        %run_scoped3A = tpu.sem_alloc : memref<!tpu.dma_semaphore, #tpu.memory_space<semaphore_mem>>
        %dma_start3A = arith.constant 0 : i32
        %dma_start3A_67 = tpu.memref_slice %arg6[%dma_start3A] : memref<528xf32, #tpu.memory_space<vmem>> -> memref<512xf32, #tpu.memory_space<vmem>>
        %dma_start3A_68 = arith.constant 0 : i32
        %dma_start3A_69 = tpu.memref_slice %arg2[%add3A, %dma_start3A_68] : memref<16x512xf32, #tpu.memory_space<hbm>> -> memref<1x512xf32, #tpu.memory_space<hbm>>
        %dma_start3A_70 = tpu.memref_squeeze %dma_start3A_69 : memref<1x512xf32, #tpu.memory_space<hbm>> -> memref<512xf32, #tpu.memory_space<hbm>>
        %dma_start3A_71 = arith.constant 0 : i32
        %dma_start3A_72 = tpu.memref_slice %arg6[%dma_start3A_71] : memref<528xf32, #tpu.memory_space<vmem>> -> memref<512xf32, #tpu.memory_space<vmem>>
        %dma_start3A_73 = arith.constant 0 : i32
        %dma_start3A_74 = tpu.memref_slice %arg2[%add3A, %dma_start3A_73] : memref<16x512xf32, #tpu.memory_space<hbm>> -> memref<1x512xf32, #tpu.memory_space<hbm>>
        %dma_start3A_75 = tpu.memref_squeeze %dma_start3A_74 : memref<1x512xf32, #tpu.memory_space<hbm>> -> memref<512xf32, #tpu.memory_space<hbm>>
        tpu.enqueue_dma source(%dma_start3A_75 : memref<512xf32, #tpu.memory_space<hbm>>) target(%dma_start3A_72 : memref<512xf32, #tpu.memory_space<vmem>>) target_semaphore(%run_scoped3A : memref<!tpu.dma_semaphore, #tpu.memory_space<semaphore_mem>>)
        %dma_wait3A = arith.constant 0 : i32
        %dma_wait3A_76 = tpu.memref_slice %arg6[%dma_wait3A] : memref<528xf32, #tpu.memory_space<vmem>> -> memref<512xf32, #tpu.memory_space<vmem>>
        %dma_wait3A_77 = arith.constant 0 : i32
        %dma_wait3A_78 = tpu.memref_slice %arg2[%add3A, %dma_wait3A_77] : memref<16x512xf32, #tpu.memory_space<hbm>> -> memref<1x512xf32, #tpu.memory_space<hbm>>
        %dma_wait3A_79 = tpu.memref_squeeze %dma_wait3A_78 : memref<1x512xf32, #tpu.memory_space<hbm>> -> memref<512xf32, #tpu.memory_space<hbm>>
        %dma_wait3A_80 = arith.constant 0 : i32
        %dma_wait3A_81 = tpu.memref_slice %arg6[%dma_wait3A_80] : memref<528xf32, #tpu.memory_space<vmem>> -> memref<512xf32, #tpu.memory_space<vmem>>
        %dma_wait3A_82 = arith.constant 0 : i32
        %dma_wait3A_83 = tpu.memref_slice %arg2[%add3A, %dma_wait3A_82] : memref<16x512xf32, #tpu.memory_space<hbm>> -> memref<1x512xf32, #tpu.memory_space<hbm>>
        %dma_wait3A_84 = tpu.memref_squeeze %dma_wait3A_83 : memref<1x512xf32, #tpu.memory_space<hbm>> -> memref<512xf32, #tpu.memory_space<hbm>>
        tpu.wait_dma2 semaphore(%run_scoped3A : memref<!tpu.dma_semaphore, #tpu.memory_space<semaphore_mem>>) src(%dma_wait3A_84 : memref<512xf32, #tpu.memory_space<hbm>>) dst(%dma_wait3A_81 : memref<512xf32, #tpu.memory_space<vmem>>)
        tpu.yield
      }) : () -> ()
      "tpu.region"() ({
        %run_scoped3A = tpu.sem_alloc : memref<!tpu.dma_semaphore, #tpu.memory_space<semaphore_mem>>
        %dma_start3A = arith.constant 0 : i32
        %dma_start3A_67 = tpu.memref_slice %arg7[%dma_start3A] : memref<528xf32, #tpu.memory_space<vmem>> -> memref<512xf32, #tpu.memory_space<vmem>>
        %dma_start3A_68 = arith.constant 0 : i32
        %dma_start3A_69 = tpu.memref_slice %arg3[%add3A, %dma_start3A_68] : memref<16x512xf32, #tpu.memory_space<hbm>> -> memref<1x512xf32, #tpu.memory_space<hbm>>
        %dma_start3A_70 = tpu.memref_squeeze %dma_start3A_69 : memref<1x512xf32, #tpu.memory_space<hbm>> -> memref<512xf32, #tpu.memory_space<hbm>>
        %dma_start3A_71 = arith.constant 0 : i32
        %dma_start3A_72 = tpu.memref_slice %arg7[%dma_start3A_71] : memref<528xf32, #tpu.memory_space<vmem>> -> memref<512xf32, #tpu.memory_space<vmem>>
        %dma_start3A_73 = arith.constant 0 : i32
        %dma_start3A_74 = tpu.memref_slice %arg3[%add3A, %dma_start3A_73] : memref<16x512xf32, #tpu.memory_space<hbm>> -> memref<1x512xf32, #tpu.memory_space<hbm>>
        %dma_start3A_75 = tpu.memref_squeeze %dma_start3A_74 : memref<1x512xf32, #tpu.memory_space<hbm>> -> memref<512xf32, #tpu.memory_space<hbm>>
        tpu.enqueue_dma source(%dma_start3A_75 : memref<512xf32, #tpu.memory_space<hbm>>) target(%dma_start3A_72 : memref<512xf32, #tpu.memory_space<vmem>>) target_semaphore(%run_scoped3A : memref<!tpu.dma_semaphore, #tpu.memory_space<semaphore_mem>>)
        %dma_wait3A = arith.constant 0 : i32
        %dma_wait3A_76 = tpu.memref_slice %arg7[%dma_wait3A] : memref<528xf32, #tpu.memory_space<vmem>> -> memref<512xf32, #tpu.memory_space<vmem>>
        %dma_wait3A_77 = arith.constant 0 : i32
        %dma_wait3A_78 = tpu.memref_slice %arg3[%add3A, %dma_wait3A_77] : memref<16x512xf32, #tpu.memory_space<hbm>> -> memref<1x512xf32, #tpu.memory_space<hbm>>
        %dma_wait3A_79 = tpu.memref_squeeze %dma_wait3A_78 : memref<1x512xf32, #tpu.memory_space<hbm>> -> memref<512xf32, #tpu.memory_space<hbm>>
        %dma_wait3A_80 = arith.constant 0 : i32
        %dma_wait3A_81 = tpu.memref_slice %arg7[%dma_wait3A_80] : memref<528xf32, #tpu.memory_space<vmem>> -> memref<512xf32, #tpu.memory_space<vmem>>
        %dma_wait3A_82 = arith.constant 0 : i32
        %dma_wait3A_83 = tpu.memref_slice %arg3[%add3A, %dma_wait3A_82] : memref<16x512xf32, #tpu.memory_space<hbm>> -> memref<1x512xf32, #tpu.memory_space<hbm>>
        %dma_wait3A_84 = tpu.memref_squeeze %dma_wait3A_83 : memref<1x512xf32, #tpu.memory_space<hbm>> -> memref<512xf32, #tpu.memory_space<hbm>>
        tpu.wait_dma2 semaphore(%run_scoped3A : memref<!tpu.dma_semaphore, #tpu.memory_space<semaphore_mem>>) src(%dma_wait3A_84 : memref<512xf32, #tpu.memory_space<hbm>>) dst(%dma_wait3A_81 : memref<512xf32, #tpu.memory_space<vmem>>)
        tpu.yield
      }) : () -> ()
      "tpu.region"() ({
        %run_scoped3A = tpu.sem_alloc : memref<!tpu.dma_semaphore, #tpu.memory_space<semaphore_mem>>
        tpu.enqueue_dma source(%arg4 : memref<128xi32, #tpu.memory_space<hbm>>) target(%arg8 : memref<128xi32, #tpu.memory_space<vmem>>) target_semaphore(%run_scoped3A : memref<!tpu.dma_semaphore, #tpu.memory_space<semaphore_mem>>)
        tpu.wait_dma2 semaphore(%run_scoped3A : memref<!tpu.dma_semaphore, #tpu.memory_space<semaphore_mem>>) src(%arg4 : memref<128xi32, #tpu.memory_space<hbm>>) dst(%arg8 : memref<128xi32, #tpu.memory_space<vmem>>)
        tpu.yield
      }) : () -> ()
      %iota3A = tpu.iota {dimensions = array<i32: 0>} : vector<16xi32>
      %shift_right_arithmetic3A_7 = arith.constant 3 : i32
      %shift_right_arithmetic3A_8 = vector.broadcast %shift_right_arithmetic3A_7 : i32 to vector<16xi32>
      %shift_right_arithmetic3A_9 = arith.shrsi %iota3A, %shift_right_arithmetic3A_8 : vector<16xi32>
      %and3A_10 = arith.constant 7 : i32
      %and3A_11 = vector.broadcast %and3A_10 : i32 to vector<16xi32>
      %and3A_12 = arith.andi %iota3A, %and3A_11 : vector<16xi32>
      %mul3A_13 = arith.constant 128 : i32
      %mul3A_14 = arith.muli %and3A_0, %mul3A_13 : i32
      %mul3A_15 = arith.constant 4 : i32
      %mul3A_16 = arith.muli %mul3A_15, %and3A_0 : i32
      %sub3A = arith.constant 128 : i32
      %sub3A_17 = arith.subi %sub3A, %mul3A_16 : i32
      %broadcast_in_dim3A_18 = arith.constant 0.000000e+00 : f32
      %broadcast_in_dim3A_19 = vector.broadcast %broadcast_in_dim3A_18 : f32 to vector<16xf32>
      %while3A = arith.constant 0 : i32
      %while3A_20 = arith.subi %sub3A_17, %while3A : i32
      %while3A_21 = arith.addi %while3A, %while3A_20 : i32
      %while3A_22 = arith.constant 1 : i32
      %while3A_23 = arith.divsi %while3A_20, %while3A_22 : i32
      %while3A_24 = arith.muli %while3A_23, %while3A_22 : i32
      %while3A_25 = arith.addi %while3A, %while3A_24 : i32
      %while3A_26 = arith.constant 1 : i32
      %while3A_27 = scf.for %while3A_67 = %while3A to %while3A_25 step %while3A_26 iter_args(%while3A_68 = %broadcast_in_dim3A_19) -> (vector<16xf32>)  : i32 {
        %add3A_69 = arith.addi %mul3A_14, %while3A_67 : i32
        %mul3A_70 = arith.constant 2 : i32
        %mul3A_71 = arith.muli %mul3A_70, %add3A_69 : i32
        %add3A_72 = vector.broadcast %mul3A_71 : i32 to vector<16xi32>
        %add3A_73 = arith.addi %shift_right_arithmetic3A_9, %add3A_72 : vector<16xi32>
        %add3A_74 = arith.addi %add3A_73, %and3A_12 : vector<16xi32>
        %gather3A = tpu.vector_load_idx %arg6[%add3A_73] : memref<528xf32, #tpu.memory_space<vmem>>[vector<16xi32>], vector<16xf32>,
        %gather3A_75 = tpu.vector_load_idx %arg7[%add3A_74] : memref<528xf32, #tpu.memory_space<vmem>>[vector<16xi32>], vector<16xf32>,
        %add3A_76 = arith.addf %gather3A, %gather3A_75 : vector<16xf32>
        %exp3A = math.exp %add3A_76 : vector<16xf32>
        %mul3A_77 = arith.constant 16 : i32
        %mul3A_78 = arith.muli %while3A_67, %mul3A_77 : i32
        %swap3A_79 = arith.index_cast %mul3A_78 : i32 to index
        %swap3A_80 = tpu.vector_load %arg9[%swap3A_79] {strides = array<i32>} : memref<2048xf32, #tpu.memory_space<vmem>>, vector<16xf32>,
        tpu.vector_store %arg9[%swap3A_79], %exp3A {strides = array<i32>} : memref<2048xf32, #tpu.memory_space<vmem>>, vector<16xf32>,
        %add3A_81 = arith.addf %while3A_68, %exp3A : vector<16xf32>
        scf.yield %add3A_81 : vector<16xf32>
      }
      %while3A_28 = arith.constant 1 : i32
      %while3A_29 = scf.for %while3A_67 = %while3A_25 to %while3A_21 step %while3A_28 iter_args(%while3A_68 = %while3A_27) -> (vector<16xf32>)  : i32 {
        %add3A_69 = arith.addi %mul3A_14, %while3A_67 : i32
        %mul3A_70 = arith.constant 2 : i32
        %mul3A_71 = arith.muli %mul3A_70, %add3A_69 : i32
        %add3A_72 = vector.broadcast %mul3A_71 : i32 to vector<16xi32>
        %add3A_73 = arith.addi %shift_right_arithmetic3A_9, %add3A_72 : vector<16xi32>
        %add3A_74 = arith.addi %add3A_73, %and3A_12 : vector<16xi32>
        %gather3A = tpu.vector_load_idx %arg6[%add3A_73] : memref<528xf32, #tpu.memory_space<vmem>>[vector<16xi32>], vector<16xf32>,
        %gather3A_75 = tpu.vector_load_idx %arg7[%add3A_74] : memref<528xf32, #tpu.memory_space<vmem>>[vector<16xi32>], vector<16xf32>,
        %add3A_76 = arith.addf %gather3A, %gather3A_75 : vector<16xf32>
        %exp3A = math.exp %add3A_76 : vector<16xf32>
        %mul3A_77 = arith.constant 16 : i32
        %mul3A_78 = arith.muli %while3A_67, %mul3A_77 : i32
        %swap3A_79 = arith.index_cast %mul3A_78 : i32 to index
        %swap3A_80 = tpu.vector_load %arg9[%swap3A_79] {strides = array<i32>} : memref<2048xf32, #tpu.memory_space<vmem>>, vector<16xf32>,
        tpu.vector_store %arg9[%swap3A_79], %exp3A {strides = array<i32>} : memref<2048xf32, #tpu.memory_space<vmem>>, vector<16xf32>,
        %add3A_81 = arith.addf %while3A_68, %exp3A : vector<16xf32>
        scf.yield %add3A_81 : vector<16xf32>
      }
      %mul3A_30 = arith.constant 4 : i32
      %mul3A_31 = arith.muli %mul3A_30, %and3A_0 : i32
      %while3A_32 = arith.constant 0 : i32
      %while3A_33 = arith.subi %mul3A_31, %while3A_32 : i32
      %while3A_34 = arith.addi %while3A_32, %while3A_33 : i32
      %while3A_35 = arith.constant 1 : i32
      %while3A_36 = arith.divsi %while3A_33, %while3A_35 : i32
      %while3A_37 = arith.muli %while3A_36, %while3A_35 : i32
      %while3A_38 = arith.addi %while3A_32, %while3A_37 : i32
      %while3A_39 = arith.constant 1 : i32
      %while3A_40 = scf.for %while3A_67 = %while3A_32 to %while3A_38 step %while3A_39 iter_args(%while3A_68 = %while3A_29) -> (vector<16xf32>)  : i32 {
        %mul3A_69 = arith.constant 16 : i32
        %mul3A_70 = arith.muli %while3A_67, %mul3A_69 : i32
        %get3A_71 = arith.index_cast %mul3A_70 : i32 to index
        %get3A_72 = tpu.vector_load %arg8[%get3A_71] {strides = array<i32>} : memref<128xi32, #tpu.memory_space<vmem>>, vector<16xi32>,
        %mul3A_73 = arith.constant 16 : i32
        %mul3A_74 = arith.muli %while3A_67, %mul3A_73 : i32
        %add3A_75 = arith.constant 64 : i32
        %add3A_76 = arith.addi %add3A_75, %mul3A_74 : i32
        %get3A_77 = arith.index_cast %add3A_76 : i32 to index
        %get3A_78 = tpu.vector_load %arg8[%get3A_77] {strides = array<i32>} : memref<128xi32, #tpu.memory_space<vmem>>, vector<16xi32>,
        %gather3A = tpu.vector_load_idx %arg6[%get3A_72] : memref<528xf32, #tpu.memory_space<vmem>>[vector<16xi32>], vector<16xf32>,
        %gather3A_79 = tpu.vector_load_idx %arg7[%get3A_78] : memref<528xf32, #tpu.memory_space<vmem>>[vector<16xi32>], vector<16xf32>,
        %add3A_80 = arith.addf %gather3A, %gather3A_79 : vector<16xf32>
        %exp3A = math.exp %add3A_80 : vector<16xf32>
        %add3A_81 = arith.constant 124 : i32
        %add3A_82 = arith.addi %add3A_81, %while3A_67 : i32
        %mul3A_83 = arith.constant 16 : i32
        %mul3A_84 = arith.muli %add3A_82, %mul3A_83 : i32
        %swap3A_85 = arith.index_cast %mul3A_84 : i32 to index
        %swap3A_86 = tpu.vector_load %arg9[%swap3A_85] {strides = array<i32>} : memref<2048xf32, #tpu.memory_space<vmem>>, vector<16xf32>,
        tpu.vector_store %arg9[%swap3A_85], %exp3A {strides = array<i32>} : memref<2048xf32, #tpu.memory_space<vmem>>, vector<16xf32>,
        %add3A_87 = arith.addf %while3A_68, %exp3A : vector<16xf32>
        scf.yield %add3A_87 : vector<16xf32>
      }
      %while3A_41 = arith.constant 1 : i32
      %while3A_42 = scf.for %while3A_67 = %while3A_38 to %while3A_34 step %while3A_41 iter_args(%while3A_68 = %while3A_40) -> (vector<16xf32>)  : i32 {
        %mul3A_69 = arith.constant 16 : i32
        %mul3A_70 = arith.muli %while3A_67, %mul3A_69 : i32
        %get3A_71 = arith.index_cast %mul3A_70 : i32 to index
        %get3A_72 = tpu.vector_load %arg8[%get3A_71] {strides = array<i32>} : memref<128xi32, #tpu.memory_space<vmem>>, vector<16xi32>,
        %mul3A_73 = arith.constant 16 : i32
        %mul3A_74 = arith.muli %while3A_67, %mul3A_73 : i32
        %add3A_75 = arith.constant 64 : i32
        %add3A_76 = arith.addi %add3A_75, %mul3A_74 : i32
        %get3A_77 = arith.index_cast %add3A_76 : i32 to index
        %get3A_78 = tpu.vector_load %arg8[%get3A_77] {strides = array<i32>} : memref<128xi32, #tpu.memory_space<vmem>>, vector<16xi32>,
        %gather3A = tpu.vector_load_idx %arg6[%get3A_72] : memref<528xf32, #tpu.memory_space<vmem>>[vector<16xi32>], vector<16xf32>,
        %gather3A_79 = tpu.vector_load_idx %arg7[%get3A_78] : memref<528xf32, #tpu.memory_space<vmem>>[vector<16xi32>], vector<16xf32>,
        %add3A_80 = arith.addf %gather3A, %gather3A_79 : vector<16xf32>
        %exp3A = math.exp %add3A_80 : vector<16xf32>
        %add3A_81 = arith.constant 124 : i32
        %add3A_82 = arith.addi %add3A_81, %while3A_67 : i32
        %mul3A_83 = arith.constant 16 : i32
        %mul3A_84 = arith.muli %add3A_82, %mul3A_83 : i32
        %swap3A_85 = arith.index_cast %mul3A_84 : i32 to index
        %swap3A_86 = tpu.vector_load %arg9[%swap3A_85] {strides = array<i32>} : memref<2048xf32, #tpu.memory_space<vmem>>, vector<16xf32>,
        tpu.vector_store %arg9[%swap3A_85], %exp3A {strides = array<i32>} : memref<2048xf32, #tpu.memory_space<vmem>>, vector<16xf32>,
        %add3A_87 = arith.addf %while3A_68, %exp3A : vector<16xf32>
        scf.yield %add3A_87 : vector<16xf32>
      }
      %swap3A_43 = arith.constant 0 : index
      %swap3A_44 = tpu.vector_load %arg10[%swap3A_43] {strides = array<i32>} : memref<16xf32, #tpu.memory_space<vmem>>, vector<16xf32>,
      tpu.vector_store %arg10[%swap3A_43], %while3A_42 {strides = array<i32>} : memref<16xf32, #tpu.memory_space<vmem>>, vector<16xf32>,
      %mul3A_45 = arith.constant 16 : i32
      %mul3A_46 = arith.muli %arg1, %mul3A_45 : i32
      %multiple_of3A = tpu.assume_multiple %mul3A_46, 16 : i32
      "tpu.region"() ({
        %run_scoped3A = tpu.sem_alloc : memref<!tpu.dma_semaphore, #tpu.memory_space<semaphore_mem>>
        %dma_start3A = tpu.memref_slice %arg11[%multiple_of3A] : memref<256xf32, #tpu.memory_space<vmem_shared>> -> memref<16xf32, #tpu.memory_space<vmem_shared>>
        %dma_start3A_67 = tpu.memref_slice %arg11[%multiple_of3A] : memref<256xf32, #tpu.memory_space<vmem_shared>> -> memref<16xf32, #tpu.memory_space<vmem_shared>>
        tpu.enqueue_dma source(%arg10 : memref<16xf32, #tpu.memory_space<vmem>>) target(%dma_start3A_67 : memref<16xf32, #tpu.memory_space<vmem_shared>>) target_semaphore(%run_scoped3A : memref<!tpu.dma_semaphore, #tpu.memory_space<semaphore_mem>>)
        %dma_wait3A = tpu.memref_slice %arg11[%multiple_of3A] : memref<256xf32, #tpu.memory_space<vmem_shared>> -> memref<16xf32, #tpu.memory_space<vmem_shared>>
        %dma_wait3A_68 = tpu.memref_slice %arg11[%multiple_of3A] : memref<256xf32, #tpu.memory_space<vmem_shared>> -> memref<16xf32, #tpu.memory_space<vmem_shared>>
        tpu.wait_dma2 semaphore(%run_scoped3A : memref<!tpu.dma_semaphore, #tpu.memory_space<semaphore_mem>>) src(%arg10 : memref<16xf32, #tpu.memory_space<vmem>>) dst(%dma_wait3A_68 : memref<16xf32, #tpu.memory_space<vmem_shared>>)
        tpu.yield
      }) : () -> ()
      %barrier3A = arith.constant 0 : index
      tpu.barrier barrier_id(%barrier3A)
      %xor3A = arith.constant 1 : i32
      %xor3A_47 = arith.xori %arg1, %xor3A : i32
      %mul3A_48 = arith.constant 16 : i32
      %mul3A_49 = arith.muli %xor3A_47, %mul3A_48 : i32
      %multiple_of3A_50 = tpu.assume_multiple %mul3A_49, 16 : i32
      "tpu.region"() ({
        %run_scoped3A = tpu.sem_alloc : memref<!tpu.dma_semaphore, #tpu.memory_space<semaphore_mem>>
        %dma_start3A = tpu.memref_slice %arg11[%multiple_of3A_50] : memref<256xf32, #tpu.memory_space<vmem_shared>> -> memref<16xf32, #tpu.memory_space<vmem_shared>>
        %dma_start3A_67 = tpu.memref_slice %arg11[%multiple_of3A_50] : memref<256xf32, #tpu.memory_space<vmem_shared>> -> memref<16xf32, #tpu.memory_space<vmem_shared>>
        tpu.enqueue_dma source(%dma_start3A_67 : memref<16xf32, #tpu.memory_space<vmem_shared>>) target(%arg10 : memref<16xf32, #tpu.memory_space<vmem>>) target_semaphore(%run_scoped3A : memref<!tpu.dma_semaphore, #tpu.memory_space<semaphore_mem>>)
        %dma_wait3A = tpu.memref_slice %arg11[%multiple_of3A_50] : memref<256xf32, #tpu.memory_space<vmem_shared>> -> memref<16xf32, #tpu.memory_space<vmem_shared>>
        %dma_wait3A_68 = tpu.memref_slice %arg11[%multiple_of3A_50] : memref<256xf32, #tpu.memory_space<vmem_shared>> -> memref<16xf32, #tpu.memory_space<vmem_shared>>
        tpu.wait_dma2 semaphore(%run_scoped3A : memref<!tpu.dma_semaphore, #tpu.memory_space<semaphore_mem>>) src(%dma_wait3A_68 : memref<16xf32, #tpu.memory_space<vmem_shared>>) dst(%arg10 : memref<16xf32, #tpu.memory_space<vmem>>)
        tpu.yield
      }) : () -> ()
      %get3A = arith.constant 0 : index
      %get3A_51 = tpu.vector_load %arg10[%get3A] {strides = array<i32>} : memref<16xf32, #tpu.memory_space<vmem>>, vector<16xf32>,
      %broadcast_in_dim3A_52 = arith.constant 1.000000e+00 : f32
      %broadcast_in_dim3A_53 = vector.broadcast %broadcast_in_dim3A_52 : f32 to vector<16xf32>
      %add3A_54 = arith.addf %while3A_42, %get3A_51 : vector<16xf32>
      %reduce_sum3A = arith.constant true
      %reduce_sum3A_55 = vector.broadcast %reduce_sum3A : i1 to vector<16xi1>
      %reduce_sum3A_56 = tpu.scan <sum>, %add3A_54 masked %reduce_sum3A_55 : vector<16xf32>, vector<16xi1> -> vector<16xf32>
      %reduce_sum3A_57 = vector.extract %reduce_sum3A_56[15] : f32 from vector<16xf32>
      %broadcast_in_dim3A_58 = vector.broadcast %reduce_sum3A_57 : f32 to vector<16xf32>
      %div3A = arith.divf %broadcast_in_dim3A_53, %broadcast_in_dim3A_58 : vector<16xf32>
      %scan3A = arith.constant 0 : i32
      %scan3A_59 = arith.constant 0 : i32
      %scan3A_60 = arith.constant 128 : i32
      %scan3A_61 = arith.addi %scan3A_59, %scan3A_60 : i32
      %scan3A_62 = arith.constant 1 : i32
      scf.for %scan3A_67 = %scan3A_59 to %scan3A_61 step %scan3A_62  : i32 {
        %mul3A_68 = arith.constant 16 : i32
        %mul3A_69 = arith.muli %scan3A_67, %mul3A_68 : i32
        %get3A_70 = arith.index_cast %mul3A_69 : i32 to index
        %get3A_71 = tpu.vector_load %arg9[%get3A_70] {strides = array<i32>} : memref<2048xf32, #tpu.memory_space<vmem>>, vector<16xf32>,
        %mul3A_72 = arith.mulf %get3A_71, %div3A : vector<16xf32>
        %mul3A_73 = arith.constant 16 : i32
        %mul3A_74 = arith.muli %scan3A_67, %mul3A_73 : i32
        %swap3A_75 = arith.index_cast %mul3A_74 : i32 to index
        %swap3A_76 = tpu.vector_load %arg9[%swap3A_75] {strides = array<i32>} : memref<2048xf32, #tpu.memory_space<vmem>>, vector<16xf32>,
        tpu.vector_store %arg9[%swap3A_75], %mul3A_72 {strides = array<i32>} : memref<2048xf32, #tpu.memory_space<vmem>>, vector<16xf32>,
      }
      %scan3A_63 = arith.constant 128 : i32
      %mul3A_64 = arith.constant 2 : i32
      %mul3A_65 = arith.muli %add3A, %mul3A_64 : i32
      %add3A_66 = arith.addi %mul3A_65, %and3A_0 : i32
      "tpu.region"() ({
        %run_scoped3A = tpu.sem_alloc : memref<!tpu.dma_semaphore, #tpu.memory_space<semaphore_mem>>
        %dma_start3A = arith.constant 0 : i32
        %dma_start3A_67 = tpu.memref_slice %arg5[%add3A_66, %dma_start3A] : memref<32x2048xf32, #tpu.memory_space<hbm>> -> memref<1x2048xf32, #tpu.memory_space<hbm>>
        %dma_start3A_68 = tpu.memref_squeeze %dma_start3A_67 : memref<1x2048xf32, #tpu.memory_space<hbm>> -> memref<2048xf32, #tpu.memory_space<hbm>>
        %dma_start3A_69 = arith.constant 0 : i32
        %dma_start3A_70 = tpu.memref_slice %arg5[%add3A_66, %dma_start3A_69] : memref<32x2048xf32, #tpu.memory_space<hbm>> -> memref<1x2048xf32, #tpu.memory_space<hbm>>
        %dma_start3A_71 = tpu.memref_squeeze %dma_start3A_70 : memref<1x2048xf32, #tpu.memory_space<hbm>> -> memref<2048xf32, #tpu.memory_space<hbm>>
        tpu.enqueue_dma source(%arg9 : memref<2048xf32, #tpu.memory_space<vmem>>) target(%dma_start3A_71 : memref<2048xf32, #tpu.memory_space<hbm>>) target_semaphore(%run_scoped3A : memref<!tpu.dma_semaphore, #tpu.memory_space<semaphore_mem>>)
        %dma_wait3A = arith.constant 0 : i32
        %dma_wait3A_72 = tpu.memref_slice %arg5[%add3A_66, %dma_wait3A] : memref<32x2048xf32, #tpu.memory_space<hbm>> -> memref<1x2048xf32, #tpu.memory_space<hbm>>
        %dma_wait3A_73 = tpu.memref_squeeze %dma_wait3A_72 : memref<1x2048xf32, #tpu.memory_space<hbm>> -> memref<2048xf32, #tpu.memory_space<hbm>>
        %dma_wait3A_74 = arith.constant 0 : i32
        %dma_wait3A_75 = tpu.memref_slice %arg5[%add3A_66, %dma_wait3A_74] : memref<32x2048xf32, #tpu.memory_space<hbm>> -> memref<1x2048xf32, #tpu.memory_space<hbm>>
        %dma_wait3A_76 = tpu.memref_squeeze %dma_wait3A_75 : memref<1x2048xf32, #tpu.memory_space<hbm>> -> memref<2048xf32, #tpu.memory_space<hbm>>
        tpu.wait_dma2 semaphore(%run_scoped3A : memref<!tpu.dma_semaphore, #tpu.memory_space<semaphore_mem>>) src(%arg9 : memref<2048xf32, #tpu.memory_space<vmem>>) dst(%dma_wait3A_76 : memref<2048xf32, #tpu.memory_space<hbm>>)
        tpu.yield
      }) : () -> ()
    } else {
    }
    return
  }
}

module attributes {stable_mosaic.version = 14 : i64} {
  func.func @_scores_body(%arg0: i32, %arg1: memref<4x512x1536xf32, #tpu.memory_space<vmem>>, %arg2: memref<4x1x512xf32, #tpu.memory_space<vmem>>, %arg3: memref<768x1xf32, #tpu.memory_space<vmem>>, %arg4: memref<4x1x512xf32, #tpu.memory_space<vmem>>, %arg5: memref<4x1x512xf32, #tpu.memory_space<vmem>>) attributes {dimension_semantics = [#tpu.dimension_semantics<arbitrary>], iteration_bounds = array<i64: 4>, scalar_prefetch = 0 : i64, scratch_operands = 0 : i64, tpu.core_type = #tpu.core_type<tc>, window_params = [{transform_indices = @transform_0, window_bounds = array<i64: 4, 512, 1536>}, {transform_indices = @transform_1, window_bounds = array<i64: 4, 1, 512>}, {pipeline_mode = #tpu.pipeline_mode<synchronous>, transform_indices = @transform_2, window_bounds = array<i64: 768, 1>}, {transform_indices = @transform_3, window_bounds = array<i64: 4, 1, 512>}, {transform_indices = @transform_4, window_bounds = array<i64: 4, 1, 512>}]} {
    %get3A = arith.constant 0 : index
    %get3A_0 = arith.constant 0 : index
    %get3A_1 = vector.load %arg3[%get3A, %get3A_0] : memref<768x1xf32, #tpu.memory_space<vmem>>, vector<768x1xf32>
    %get3A_2 = arith.constant 0 : index
    %get3A_3 = arith.constant 0 : index
    %get3A_4 = arith.constant 0 : index
    %get3A_5 = vector.load %arg1[%get3A_2, %get3A_3, %get3A_4] : memref<4x512x1536xf32, #tpu.memory_space<vmem>>, vector<1x512x1536xf32>
    %get3A_6 = vector.shape_cast %get3A_5 : vector<1x512x1536xf32> to vector<512x1536xf32>
    %slice3A = vector.extract_strided_slice %get3A_6 {offsets = [0, 0], sizes = [512, 768], strides = [1, 1]} : vector<512x1536xf32> to vector<512x768xf32>
    %dot_general3A = arith.constant dense<0.000000e+00> : vector<512x1xf32>
    %dot_general3A_7 = tpu.matmul %slice3A, %get3A_1, %dot_general3A {dimension_numbers = #tpu.dot_dimension_numbers<[1], [0], [0], [1], [0, 0, 1, 1], [], []>, transpose_lhs_hint = false} : vector<512x768xf32>, vector<768x1xf32>, vector<512x1xf32> -> vector<512x1xf32>
    %slice3A_8 = vector.extract_strided_slice %get3A_6 {offsets = [0, 768], sizes = [512, 768], strides = [1, 1]} : vector<512x1536xf32> to vector<512x768xf32>
    %dot_general3A_9 = arith.constant dense<0.000000e+00> : vector<512x1xf32>
    %dot_general3A_10 = tpu.matmul %slice3A_8, %get3A_1, %dot_general3A_9 {dimension_numbers = #tpu.dot_dimension_numbers<[1], [0], [0], [1], [0, 0, 1, 1], [], []>, transpose_lhs_hint = false} : vector<512x768xf32>, vector<768x1xf32>, vector<512x1xf32> -> vector<512x1xf32>
    %get3A_11 = arith.constant 0 : index
    %get3A_12 = arith.constant 0 : index
    %get3A_13 = arith.constant 0 : index
    %get3A_14 = vector.load %arg2[%get3A_11, %get3A_12, %get3A_13] : memref<4x1x512xf32, #tpu.memory_space<vmem>>, vector<1x1x512xf32>
    %get3A_15 = vector.shape_cast %get3A_14 : vector<1x1x512xf32> to vector<512xf32>
    %sub3A = arith.constant 1.000000e+00 : f32
    %sub3A_16 = vector.broadcast %sub3A : f32 to vector<512xf32>
    %sub3A_17 = arith.subf %get3A_15, %sub3A_16 : vector<512xf32>
    %mul3A = arith.constant 1.000000e+07 : f32
    %mul3A_18 = vector.broadcast %mul3A : f32 to vector<512xf32>
    %mul3A_19 = arith.mulf %sub3A_17, %mul3A_18 : vector<512xf32>
    %squeeze3A = vector.shape_cast %dot_general3A_7 : vector<512x1xf32> to vector<512xf32>
    %add3A = arith.addf %squeeze3A, %mul3A_19 : vector<512xf32>
    %swap3A = arith.constant 0 : index
    %swap3A_20 = arith.constant 0 : index
    %swap3A_21 = arith.constant 0 : index
    %swap3A_22 = vector.load %arg4[%swap3A, %swap3A_20, %swap3A_21] : memref<4x1x512xf32, #tpu.memory_space<vmem>>, vector<1x1x512xf32>
    %swap3A_23 = vector.shape_cast %swap3A_22 : vector<1x1x512xf32> to vector<512xf32>
    %swap3A_24 = vector.shape_cast %add3A : vector<512xf32> to vector<1x1x512xf32>
    tpu.vector_store %arg4[%swap3A, %swap3A_20, %swap3A_21], %swap3A_24 {strides = array<i32>} : memref<4x1x512xf32, #tpu.memory_space<vmem>>, vector<1x1x512xf32>,
    %squeeze3A_25 = vector.shape_cast %dot_general3A_10 : vector<512x1xf32> to vector<512xf32>
    %add3A_26 = arith.addf %squeeze3A_25, %mul3A_19 : vector<512xf32>
    %swap3A_27 = arith.constant 0 : index
    %swap3A_28 = arith.constant 0 : index
    %swap3A_29 = arith.constant 0 : index
    %swap3A_30 = vector.load %arg5[%swap3A_27, %swap3A_28, %swap3A_29] : memref<4x1x512xf32, #tpu.memory_space<vmem>>, vector<1x1x512xf32>
    %swap3A_31 = vector.shape_cast %swap3A_30 : vector<1x1x512xf32> to vector<512xf32>
    %swap3A_32 = vector.shape_cast %add3A_26 : vector<512xf32> to vector<1x1x512xf32>
    tpu.vector_store %arg5[%swap3A_27, %swap3A_28, %swap3A_29], %swap3A_32 {strides = array<i32>} : memref<4x1x512xf32, #tpu.memory_space<vmem>>, vector<1x1x512xf32>,
    %get3A_33 = arith.constant 1 : index
    %get3A_34 = arith.constant 0 : index
    %get3A_35 = arith.constant 0 : index
    %get3A_36 = vector.load %arg1[%get3A_33, %get3A_34, %get3A_35] : memref<4x512x1536xf32, #tpu.memory_space<vmem>>, vector<1x512x1536xf32>
    %get3A_37 = vector.shape_cast %get3A_36 : vector<1x512x1536xf32> to vector<512x1536xf32>
    %slice3A_38 = vector.extract_strided_slice %get3A_37 {offsets = [0, 0], sizes = [512, 768], strides = [1, 1]} : vector<512x1536xf32> to vector<512x768xf32>
    %dot_general3A_39 = arith.constant dense<0.000000e+00> : vector<512x1xf32>
    %dot_general3A_40 = tpu.matmul %slice3A_38, %get3A_1, %dot_general3A_39 {dimension_numbers = #tpu.dot_dimension_numbers<[1], [0], [0], [1], [0, 0, 1, 1], [], []>, transpose_lhs_hint = false} : vector<512x768xf32>, vector<768x1xf32>, vector<512x1xf32> -> vector<512x1xf32>
    %slice3A_41 = vector.extract_strided_slice %get3A_37 {offsets = [0, 768], sizes = [512, 768], strides = [1, 1]} : vector<512x1536xf32> to vector<512x768xf32>
    %dot_general3A_42 = arith.constant dense<0.000000e+00> : vector<512x1xf32>
    %dot_general3A_43 = tpu.matmul %slice3A_41, %get3A_1, %dot_general3A_42 {dimension_numbers = #tpu.dot_dimension_numbers<[1], [0], [0], [1], [0, 0, 1, 1], [], []>, transpose_lhs_hint = false} : vector<512x768xf32>, vector<768x1xf32>, vector<512x1xf32> -> vector<512x1xf32>
    %get3A_44 = arith.constant 1 : index
    %get3A_45 = arith.constant 0 : index
    %get3A_46 = arith.constant 0 : index
    %get3A_47 = vector.load %arg2[%get3A_44, %get3A_45, %get3A_46] : memref<4x1x512xf32, #tpu.memory_space<vmem>>, vector<1x1x512xf32>
    %get3A_48 = vector.shape_cast %get3A_47 : vector<1x1x512xf32> to vector<512xf32>
    %sub3A_49 = arith.constant 1.000000e+00 : f32
    %sub3A_50 = vector.broadcast %sub3A_49 : f32 to vector<512xf32>
    %sub3A_51 = arith.subf %get3A_48, %sub3A_50 : vector<512xf32>
    %mul3A_52 = arith.constant 1.000000e+07 : f32
    %mul3A_53 = vector.broadcast %mul3A_52 : f32 to vector<512xf32>
    %mul3A_54 = arith.mulf %sub3A_51, %mul3A_53 : vector<512xf32>
    %squeeze3A_55 = vector.shape_cast %dot_general3A_40 : vector<512x1xf32> to vector<512xf32>
    %add3A_56 = arith.addf %squeeze3A_55, %mul3A_54 : vector<512xf32>
    %swap3A_57 = arith.constant 1 : index
    %swap3A_58 = arith.constant 0 : index
    %swap3A_59 = arith.constant 0 : index
    %swap3A_60 = vector.load %arg4[%swap3A_57, %swap3A_58, %swap3A_59] : memref<4x1x512xf32, #tpu.memory_space<vmem>>, vector<1x1x512xf32>
    %swap3A_61 = vector.shape_cast %swap3A_60 : vector<1x1x512xf32> to vector<512xf32>
    %swap3A_62 = vector.shape_cast %add3A_56 : vector<512xf32> to vector<1x1x512xf32>
    tpu.vector_store %arg4[%swap3A_57, %swap3A_58, %swap3A_59], %swap3A_62 {strides = array<i32>} : memref<4x1x512xf32, #tpu.memory_space<vmem>>, vector<1x1x512xf32>,
    %squeeze3A_63 = vector.shape_cast %dot_general3A_43 : vector<512x1xf32> to vector<512xf32>
    %add3A_64 = arith.addf %squeeze3A_63, %mul3A_54 : vector<512xf32>
    %swap3A_65 = arith.constant 1 : index
    %swap3A_66 = arith.constant 0 : index
    %swap3A_67 = arith.constant 0 : index
    %swap3A_68 = vector.load %arg5[%swap3A_65, %swap3A_66, %swap3A_67] : memref<4x1x512xf32, #tpu.memory_space<vmem>>, vector<1x1x512xf32>
    %swap3A_69 = vector.shape_cast %swap3A_68 : vector<1x1x512xf32> to vector<512xf32>
    %swap3A_70 = vector.shape_cast %add3A_64 : vector<512xf32> to vector<1x1x512xf32>
    tpu.vector_store %arg5[%swap3A_65, %swap3A_66, %swap3A_67], %swap3A_70 {strides = array<i32>} : memref<4x1x512xf32, #tpu.memory_space<vmem>>, vector<1x1x512xf32>,
    %get3A_71 = arith.constant 2 : index
    %get3A_72 = arith.constant 0 : index
    %get3A_73 = arith.constant 0 : index
    %get3A_74 = vector.load %arg1[%get3A_71, %get3A_72, %get3A_73] : memref<4x512x1536xf32, #tpu.memory_space<vmem>>, vector<1x512x1536xf32>
    %get3A_75 = vector.shape_cast %get3A_74 : vector<1x512x1536xf32> to vector<512x1536xf32>
    %slice3A_76 = vector.extract_strided_slice %get3A_75 {offsets = [0, 0], sizes = [512, 768], strides = [1, 1]} : vector<512x1536xf32> to vector<512x768xf32>
    %dot_general3A_77 = arith.constant dense<0.000000e+00> : vector<512x1xf32>
    %dot_general3A_78 = tpu.matmul %slice3A_76, %get3A_1, %dot_general3A_77 {dimension_numbers = #tpu.dot_dimension_numbers<[1], [0], [0], [1], [0, 0, 1, 1], [], []>, transpose_lhs_hint = false} : vector<512x768xf32>, vector<768x1xf32>, vector<512x1xf32> -> vector<512x1xf32>
    %slice3A_79 = vector.extract_strided_slice %get3A_75 {offsets = [0, 768], sizes = [512, 768], strides = [1, 1]} : vector<512x1536xf32> to vector<512x768xf32>
    %dot_general3A_80 = arith.constant dense<0.000000e+00> : vector<512x1xf32>
    %dot_general3A_81 = tpu.matmul %slice3A_79, %get3A_1, %dot_general3A_80 {dimension_numbers = #tpu.dot_dimension_numbers<[1], [0], [0], [1], [0, 0, 1, 1], [], []>, transpose_lhs_hint = false} : vector<512x768xf32>, vector<768x1xf32>, vector<512x1xf32> -> vector<512x1xf32>
    %get3A_82 = arith.constant 2 : index
    %get3A_83 = arith.constant 0 : index
    %get3A_84 = arith.constant 0 : index
    %get3A_85 = vector.load %arg2[%get3A_82, %get3A_83, %get3A_84] : memref<4x1x512xf32, #tpu.memory_space<vmem>>, vector<1x1x512xf32>
    %get3A_86 = vector.shape_cast %get3A_85 : vector<1x1x512xf32> to vector<512xf32>
    %sub3A_87 = arith.constant 1.000000e+00 : f32
    %sub3A_88 = vector.broadcast %sub3A_87 : f32 to vector<512xf32>
    %sub3A_89 = arith.subf %get3A_86, %sub3A_88 : vector<512xf32>
    %mul3A_90 = arith.constant 1.000000e+07 : f32
    %mul3A_91 = vector.broadcast %mul3A_90 : f32 to vector<512xf32>
    %mul3A_92 = arith.mulf %sub3A_89, %mul3A_91 : vector<512xf32>
    %squeeze3A_93 = vector.shape_cast %dot_general3A_78 : vector<512x1xf32> to vector<512xf32>
    %add3A_94 = arith.addf %squeeze3A_93, %mul3A_92 : vector<512xf32>
    %swap3A_95 = arith.constant 2 : index
    %swap3A_96 = arith.constant 0 : index
    %swap3A_97 = arith.constant 0 : index
    %swap3A_98 = vector.load %arg4[%swap3A_95, %swap3A_96, %swap3A_97] : memref<4x1x512xf32, #tpu.memory_space<vmem>>, vector<1x1x512xf32>
    %swap3A_99 = vector.shape_cast %swap3A_98 : vector<1x1x512xf32> to vector<512xf32>
    %swap3A_100 = vector.shape_cast %add3A_94 : vector<512xf32> to vector<1x1x512xf32>
    tpu.vector_store %arg4[%swap3A_95, %swap3A_96, %swap3A_97], %swap3A_100 {strides = array<i32>} : memref<4x1x512xf32, #tpu.memory_space<vmem>>, vector<1x1x512xf32>,
    %squeeze3A_101 = vector.shape_cast %dot_general3A_81 : vector<512x1xf32> to vector<512xf32>
    %add3A_102 = arith.addf %squeeze3A_101, %mul3A_92 : vector<512xf32>
    %swap3A_103 = arith.constant 2 : index
    %swap3A_104 = arith.constant 0 : index
    %swap3A_105 = arith.constant 0 : index
    %swap3A_106 = vector.load %arg5[%swap3A_103, %swap3A_104, %swap3A_105] : memref<4x1x512xf32, #tpu.memory_space<vmem>>, vector<1x1x512xf32>
    %swap3A_107 = vector.shape_cast %swap3A_106 : vector<1x1x512xf32> to vector<512xf32>
    %swap3A_108 = vector.shape_cast %add3A_102 : vector<512xf32> to vector<1x1x512xf32>
    tpu.vector_store %arg5[%swap3A_103, %swap3A_104, %swap3A_105], %swap3A_108 {strides = array<i32>} : memref<4x1x512xf32, #tpu.memory_space<vmem>>, vector<1x1x512xf32>,
    %get3A_109 = arith.constant 3 : index
    %get3A_110 = arith.constant 0 : index
    %get3A_111 = arith.constant 0 : index
    %get3A_112 = vector.load %arg1[%get3A_109, %get3A_110, %get3A_111] : memref<4x512x1536xf32, #tpu.memory_space<vmem>>, vector<1x512x1536xf32>
    %get3A_113 = vector.shape_cast %get3A_112 : vector<1x512x1536xf32> to vector<512x1536xf32>
    %slice3A_114 = vector.extract_strided_slice %get3A_113 {offsets = [0, 0], sizes = [512, 768], strides = [1, 1]} : vector<512x1536xf32> to vector<512x768xf32>
    %dot_general3A_115 = arith.constant dense<0.000000e+00> : vector<512x1xf32>
    %dot_general3A_116 = tpu.matmul %slice3A_114, %get3A_1, %dot_general3A_115 {dimension_numbers = #tpu.dot_dimension_numbers<[1], [0], [0], [1], [0, 0, 1, 1], [], []>, transpose_lhs_hint = false} : vector<512x768xf32>, vector<768x1xf32>, vector<512x1xf32> -> vector<512x1xf32>
    %slice3A_117 = vector.extract_strided_slice %get3A_113 {offsets = [0, 768], sizes = [512, 768], strides = [1, 1]} : vector<512x1536xf32> to vector<512x768xf32>
    %dot_general3A_118 = arith.constant dense<0.000000e+00> : vector<512x1xf32>
    %dot_general3A_119 = tpu.matmul %slice3A_117, %get3A_1, %dot_general3A_118 {dimension_numbers = #tpu.dot_dimension_numbers<[1], [0], [0], [1], [0, 0, 1, 1], [], []>, transpose_lhs_hint = false} : vector<512x768xf32>, vector<768x1xf32>, vector<512x1xf32> -> vector<512x1xf32>
    %get3A_120 = arith.constant 3 : index
    %get3A_121 = arith.constant 0 : index
    %get3A_122 = arith.constant 0 : index
    %get3A_123 = vector.load %arg2[%get3A_120, %get3A_121, %get3A_122] : memref<4x1x512xf32, #tpu.memory_space<vmem>>, vector<1x1x512xf32>
    %get3A_124 = vector.shape_cast %get3A_123 : vector<1x1x512xf32> to vector<512xf32>
    %sub3A_125 = arith.constant 1.000000e+00 : f32
    %sub3A_126 = vector.broadcast %sub3A_125 : f32 to vector<512xf32>
    %sub3A_127 = arith.subf %get3A_124, %sub3A_126 : vector<512xf32>
    %mul3A_128 = arith.constant 1.000000e+07 : f32
    %mul3A_129 = vector.broadcast %mul3A_128 : f32 to vector<512xf32>
    %mul3A_130 = arith.mulf %sub3A_127, %mul3A_129 : vector<512xf32>
    %squeeze3A_131 = vector.shape_cast %dot_general3A_116 : vector<512x1xf32> to vector<512xf32>
    %add3A_132 = arith.addf %squeeze3A_131, %mul3A_130 : vector<512xf32>
    %swap3A_133 = arith.constant 3 : index
    %swap3A_134 = arith.constant 0 : index
    %swap3A_135 = arith.constant 0 : index
    %swap3A_136 = vector.load %arg4[%swap3A_133, %swap3A_134, %swap3A_135] : memref<4x1x512xf32, #tpu.memory_space<vmem>>, vector<1x1x512xf32>
    %swap3A_137 = vector.shape_cast %swap3A_136 : vector<1x1x512xf32> to vector<512xf32>
    %swap3A_138 = vector.shape_cast %add3A_132 : vector<512xf32> to vector<1x1x512xf32>
    tpu.vector_store %arg4[%swap3A_133, %swap3A_134, %swap3A_135], %swap3A_138 {strides = array<i32>} : memref<4x1x512xf32, #tpu.memory_space<vmem>>, vector<1x1x512xf32>,
    %squeeze3A_139 = vector.shape_cast %dot_general3A_119 : vector<512x1xf32> to vector<512xf32>
    %add3A_140 = arith.addf %squeeze3A_139, %mul3A_130 : vector<512xf32>
    %swap3A_141 = arith.constant 3 : index
    %swap3A_142 = arith.constant 0 : index
    %swap3A_143 = arith.constant 0 : index
    %swap3A_144 = vector.load %arg5[%swap3A_141, %swap3A_142, %swap3A_143] : memref<4x1x512xf32, #tpu.memory_space<vmem>>, vector<1x1x512xf32>
    %swap3A_145 = vector.shape_cast %swap3A_144 : vector<1x1x512xf32> to vector<512xf32>
    %swap3A_146 = vector.shape_cast %add3A_140 : vector<512xf32> to vector<1x1x512xf32>
    tpu.vector_store %arg5[%swap3A_141, %swap3A_142, %swap3A_143], %swap3A_146 {strides = array<i32>} : memref<4x1x512xf32, #tpu.memory_space<vmem>>, vector<1x1x512xf32>,
    return
  }
  func.func @transform_0(%arg0: i32) -> (i32, i32, i32) {
    %add3A = arith.constant 0 : i32
    %add3A_0 = arith.addi %add3A, %arg0 : i32
    %c0_i32 = arith.constant 0 : i32
    %c0_i32_1 = arith.constant 0 : i32
    %c0_i32_2 = arith.constant 0 : i32
    return %add3A_0, %c0_i32, %c0_i32_1 : i32, i32, i32
  }
  func.func @transform_1(%arg0: i32) -> (i32, i32, i32) {
    %add3A = arith.constant 0 : i32
    %add3A_0 = arith.addi %add3A, %arg0 : i32
    %c0_i32 = arith.constant 0 : i32
    %c0_i32_1 = arith.constant 0 : i32
    %c0_i32_2 = arith.constant 0 : i32
    return %add3A_0, %c0_i32, %c0_i32_1 : i32, i32, i32
  }
  func.func @transform_2(%arg0: i32) -> (i32, i32) {
    %c0_i32 = arith.constant 0 : i32
    %c0_i32_0 = arith.constant 0 : i32
    %c0_i32_1 = arith.constant 0 : i32
    return %c0_i32, %c0_i32_0 : i32, i32
  }
  func.func @transform_3(%arg0: i32) -> (i32, i32, i32) {
    %c0_i32 = arith.constant 0 : i32
    %c0_i32_0 = arith.constant 0 : i32
    %c0_i32_1 = arith.constant 0 : i32
    return %arg0, %c0_i32, %c0_i32_0 : i32, i32, i32
  }
  func.func @transform_4(%arg0: i32) -> (i32, i32, i32) {
    %c0_i32 = arith.constant 0 : i32
    %c0_i32_0 = arith.constant 0 : i32
    %c0_i32_1 = arith.constant 0 : i32
    return %arg0, %c0_i32, %c0_i32_0 : i32, i32, i32
  }
}

</mosaic_0001>

<sc_bundles>
// kernel: kernel.4.cloned.1.call-start
scs
__scs_entry_jumppad:
0x0: {  	(pc) =	sbr.rel $0x88, $3  }
0x1: {  	(tag) =	ssettag $0x0;
	lr =	simm.s32 $0x1  }
0x2: {  	[smem:$0x3F9E] =	sst lr;
	_ =	strace $0xD0000000  }
0x3: {  	_ = 	snop  }
0x4: {  	_ = 	snop  }
0x5: {  	_ = 	snop  }
0x6: {  	_ = 	snop  }
0x7: {  	_ = 	snop  }
__scs_overlays_trampoline_lowered:
0x8: {  	[smem:$0x3FAD] =	sst s0  }
0x9: {  	[smem:$0x3FAE] =	sst s1  }
0xa: {  	[smem:$0x3FAF] =	sst s2  }
0xb: {  	[smem:$0x3FB0] =	sst s3  }
0xc: {  	[smem:$0x3FB1] =	sst s4  }
0xd: {  	[smem:$0x3FB2] =	sst s5  }
0xe: {  	[smem:$0x3FB3] =	sst s6  }
0xf: {  	[smem:$0x3FB4] =	sst s7  }
0x10: {  	[smem:$0x3FB5] =	sst s8  }
0x11: {  	[smem:$0x3FB6] =	sst s9;
	s0 =	simm.s32 @!p0 $0x0  }
0x12: {  	s1 =	sld [smem:$0x3F9C];
	s0 =	simm.s32 @p0 $0x1  }
0x13: {  	[smem:$0x3FB7] =	sst s0;
	s0 =	simm.s32 @!p1 $0x0  }
0x14: {  	s2 =	sld [smem:$0x3F9B];
	s0 =	simm.s32 @p1 $0x1  }
0x15: {  	[smem:$0x3FB8] =	sst s0;
	s0 =	simm.s32 @!p2 $0x0  }
0x16: {  	s3 =	sld [smem:$0x3FDB];
	s0 =	simm.s32 @p2 $0x1  }
0x17: {  	s4 =	simm.s32 $0x1BF5;
	[smem:$0x3FBA] =	sst s0  }
0x18: {  	s0 =	sld [smem:$0x3F9D];
	_ =	swait.ge [sflag:s4], $0x0  }
0x19: {  	s7 =	sld [smem:$0x3F9E]  }
0x1a: {  	s8 =	sadd.s32 $0xFFFFE003, lr  }
0x1b: {  	s9 =	sadd.s32 $0xFFFFFEF7, lr;
	s5 =	simm.s32 $0xFFFFFFFF;
	p2 =	slt.u32 s8, $0xFFFFF086  }
0x1c: {  	p1 =	slt.u32 s9, $0xF7A;
	s5 =	simm.s32 @!p2 $0x0  }
0x1d: {  	s5 =	simm.s32 @p1 $0x1;
	p0 =	seq.s32 s7, s2  }
0x1e: {  	s7 =	smul.u32 @!p0 $0xF7A, s2;
	p2 =	seq.s32 @!p0 s5, $0x0  }
0x1f: {  	s9 =	smul.u32 $0xF7A, s1;
	s8 =	simm.s32 @!p0 $0x1BF5;
	p2 =	por !p2, p0  }
0x20: {  	[sflag:s8] =	ssyncset.s32 @!p0 $0xFFFFF086;
	s6 =	sadd.s32 @!p0 s3, s7;
	s7 =	simm.s32 @!p0 $0x108  }
0x21: {  	s3 =	sadd.s32 s3, s9;
	s6 =	sadd.s32 @!p0 $0x88, s6;
	s7 =	simm.s32 @p2 $0x1082  }
0x22: {  	[simem:s7], [sflag:s8] =	dma.local @!p0 [hbm:s6], $0xF7A  }
0x23: {  	s9 =	sor.u32 $0xD0000000, s2;
	s6 =	simm.s32 $0x108;
	_ =	swait.ge @!p0 [sflag:s8], $0x0  }
0x24: {  	s3 =	sadd.s32 $0x88, s3;
	s6 =	simm.s32 @!p1 $0x1082;
	[sflag:s4] =	ssyncset.s32 $0xFFFFF086  }
0x25: {  	[simem:s6], [sflag:s4] =	dma.local [hbm:s3], $0xF7A  }
0x26: {  	[smem:$0x3F9E] =	sst s1;
	(tag) =	ssettag s2;
	_ =	strace s9  }
0x27: {  	s1 =	sld [smem:$0x3FAE]  }
0x28: {  	s2 =	sld [smem:$0x3FAF]  }
0x29: {  	s4 =	sld [smem:$0x3FB1]  }
0x2a: {  	p0 =	seq.s32 s5, $0x0;
	s5 =	sld [smem:$0x3FB2]  }
0x2b: {  	s6 =	sld [smem:$0x3FB3]  }
0x2c: {  	s7 =	sld [smem:$0x3FB4]  }
0x2d: {  	s3 =	simm.s32 $0x108;
	s8 =	sld [smem:$0x3FB5]  }
0x2e: {  	s3 =	simm.s32 @!p0 $0x1082;
	s9 =	sld [smem:$0x3FB6]  }
0x2f: {  	lr =	sadd.s32 s0, s3;
	s0 =	sld [smem:$0x3FAD]  }
0x30: {  	s3 =	sld [smem:$0x3FB0]  }
0x31: {  	[smem:$0x3FB9] =	sst s10  }
0x32: {  	s10 =	sld [smem:$0x3FB7];
	_ =	sdelay $0x3  }
0x33: {  	p0 =	seq.s32 s10, $0x1;
	s10 =	sld [smem:$0x3FB9];
	_ =	sdelay $0x3  }
0x34: {  	[smem:$0x3FB9] =	sst s10  }
0x35: {  	s10 =	sld [smem:$0x3FB8];
	_ =	sdelay $0x3  }
0x36: {  	p1 =	seq.s32 s10, $0x1;
	s10 =	sld [smem:$0x3FB9];
	_ =	sdelay $0x3  }
0x37: {  	[smem:$0x3FB9] =	sst s10  }
0x38: {  	s10 =	sld [smem:$0x3FBA]  }
0x39: {  	_ = 	snop;
	(pc) =	sbr.ind lr, $3  }
0x3a: {  	_ = 	snop  }
0x3b: {  	_ = 	snop  }
0x3c: {  	p2 =	seq.s32 s10, $0x1;
	s10 =	sld [smem:$0x3FB9]  }
0x3d: {  	_ =	shalt  }
0x3e: {  	_ =	shalt  }
0x3f: {  	_ =	shalt  }
0x40: {  	_ =	shalt  }
0x41: {  	_ =	shalt  }
0x42: {  	_ =	shalt  }
0x43: {  	_ =	shalt  }
0x44: {  	_ =	shalt  }
0x45: {  	_ =	shalt  }
0x46: {  	_ =	shalt  }
0x47: {  	_ =	shalt  }
0x48: {  	_ =	shalt  }
0x49: {  	_ =	shalt  }
0x4a: {  	_ =	shalt  }
0x4b: {  	_ =	shalt  }
0x4c: {  	_ =	shalt  }
0x4d: {  	_ =	shalt  }
0x4e: {  	_ =	shalt  }
0x4f: {  	_ =	shalt  }
0x50: {  	_ =	shalt  }
0x51: {  	_ =	shalt  }
0x52: {  	_ =	shalt  }
0x53: {  	_ =	shalt  }
0x54: {  	_ =	shalt  }
0x55: {  	_ =	shalt  }
0x56: {  	_ =	shalt  }
0x57: {  	_ =	shalt  }
0x58: {  	_ =	shalt  }
0x59: {  	_ =	shalt  }
0x5a: {  	_ =	shalt  }
0x5b: {  	_ =	shalt  }
0x5c: {  	_ =	shalt  }
0x5d: {  	_ =	shalt  }
0x5e: {  	_ =	shalt  }
0x5f: {  	_ =	shalt  }
0x60: {  	_ =	shalt  }
0x61: {  	_ =	shalt  }
0x62: {  	_ =	shalt  }
0x63: {  	_ =	shalt  }
0x64: {  	_ =	shalt  }
0x65: {  	_ =	shalt  }
0x66: {  	_ =	shalt  }
0x67: {  	_ =	shalt  }
0x68: {  	_ =	shalt  }
0x69: {  	_ =	shalt  }
0x6a: {  	_ =	shalt  }
0x6b: {  	_ =	shalt  }
0x6c: {  	_ =	shalt  }
0x6d: {  	_ =	shalt  }
0x6e: {  	_ =	shalt  }
0x6f: {  	_ =	shalt  }
0x70: {  	_ =	shalt  }
0x71: {  	_ =	shalt  }
0x72: {  	_ =	shalt  }
0x73: {  	_ =	shalt  }
0x74: {  	_ =	shalt  }
0x75: {  	_ =	shalt  }
0x76: {  	_ =	shalt  }
0x77: {  	_ =	shalt  }
0x78: {  	_ =	shalt  }
0x79: {  	_ =	shalt  }
0x7a: {  	_ =	shalt  }
0x7b: {  	_ =	shalt  }
0x7c: {  	_ =	shalt  }
0x7d: {  	_ =	shalt  }
0x7e: {  	_ =	shalt  }
0x7f: {  	_ =	shalt  }
0x80: {  	_ =	shalt  }
0x81: {  	_ =	shalt  }
0x82: {  	_ =	shalt  }
0x83: {  	_ =	shalt  }
0x84: {  	_ =	shalt  }
0x85: {  	_ =	shalt  }
0x86: {  	_ =	shalt  }
0x87: {  	_ =	shalt  }
.Lfunc_end0:
.L_simem_size_0:
called_computation_lowered:
.L_overlay_start_0:
0x88: {  	s2 =	sld [smem:$0x3FD9]  }
0x89: {  	s3 =	sld [smem:$0x3FFE];
	_ =	sdelay $0x1  }
0x8a: {  	s1 =	srdreg.scid  }
0x8b: {  	s0 =	sand.u32 $0x1, s1  }
0x8c: {  	s17 =	sshll.u32 s0, $0xA;
	s2 =	sadd.s32 s3, s2  }
0x8d: {  	s2 =	sadd.s32 s2, s17  }
0x8e: {  	[smem:$0x3FC5] =	sst s2  }
0x8f: {  	_ = 	snop  }
0x90: {  	s2 =	sld [smem:$0x3FD0];
	(tm) =	ssettm $0x1  }
0x91: {  	s18 =	sld [smem:$0x3FFB];
	_ =	sdelay $0x3  }
0x92: {  	_ =	strace s18  }
0x93: {  	s3 =	sld [smem:$0x3FFC];
	_ =	sdelay $0x3  }
0x94: {  	_ =	strace s3  }
0x95: {  	s3 =	sld [smem:$0x3FFD];
	_ =	sdelay $0x3  }
0x96: {  	_ =	strace s3  }
0x97: {  	_ =	strace $0x8FFFFFFF  }
0x98: {  	s19 =	sld [smem:$0x3FDB];
	_ =	sdelay $0x1  }
0x99: {  	s4 =	simm.s32 $_scs_section_size  }
0x9a: {  	s5 =	simm.s32 $_size__tile_overlayer_lowered;
	s6 =	simm.s32 $_tile_overlayer_lowered  }
0x9b: {  	s22 =	simm.s32 $0x1BFF;
	s21 =	sshll.u32 s6, $0x1;
	s3 =	sadd.s32 s4, s19  }
0x9c: {  	s7 =	simm.s32 $0x0;
	s20 =	sshll.u32 s5, $0x1;
	s5 =	sadd.s32 s21, s3  }
0x9d: {  	[timem:s7], [sflag:s22] =	dma.local [hbm:s5], s20  }
0x9e: {  	_ =	swait.ge [sflag:s22], s20  }
0x9f: {  	s4 =	ssub.s32 $0x0, s20;
	[sflag:s22] =	ssyncset.done $0x0  }
0xa0: {  	[sflag:s22] =	ssyncadd.s32 s4;
	_ =	sdelay $0x1  }
0xa1: {  	s23 =	simm.s32 $0x1B8B  }
0xa2: {  	_ =	swait.ge [sflag:s23], $0x1  }
0xa3: {  	[sflag:s23] =	ssyncset.done $0x0  }
0xa4: {  	s25 =	simm.s32 $0x1B8E;
	s24 =	sld [smem:$0x3FFE];
	[sflag:s23] =	ssyncadd.s32 $0xFFFFFFFF  }
0xa5: {  	s26 =	simm.s32 $execute0_lowered;
	[smem:$0x3FD2] =	sst s25  }
0xa6: {  	s5 =	sshll.u32 s26, $0x1;
	_ =	strace $0x80000046;
	[dreg:$0x1] =	wrdreg $0xFFFFFFFF  }
0xa7: {  	s28 =	simm.s32 $_size_execute0_lowered;
	s3 =	sadd.s32 s3, s5;
	[dreg:$0x0] =	wrdreg $0x0  }
0xa8: {  	s5 =	sshll.u32 s28, $0x1;
	[dreg:$0x2] =	wrdreg s3  }
0xa9: {  	[dreg:$0x3] =	wrdreg s5  }
0xaa: {  	[dreg:$0x4] =	wrdreg $0xC0  }
0xab: {  	_ =	task [dreg:s7], $0x5FFFF  }
0xac: {  	[dreg:$0x1] =	wrdreg $0xFFFFFFFF  }
0xad: {  	[dreg:$0x0] =	wrdreg $0x60  }
0xae: {  	[dreg:$0x2] =	wrdreg s24  }
0xaf: {  	[dreg:$0x3] =	wrdreg s2  }
0xb0: {  	[dreg:$0x4] =	wrdreg $0xE000  }
0xb1: {  	[dreg:$0x5] =	wrdreg $0x9  }
0xb2: {  	_ =	task.clear_ibuf [dreg:s7], $0x6FFFF;
	_ =	strace $0x90000046  }
0xb3: {  	s29 =	simm.s32 $0x9;
	_ =	strace $0x80000048  }
0xb4: {  	_ =	swait.ge [sflag:s29], $0x1  }
0xb5: {  	[sflag:s29] =	ssyncadd.s32 $0xFFFFFFFF  }
0xb6: {  	_ =	strace $0x90000048  }
0xb7: {  	_ =	sfence  }
0xb8: {  	s30 =	sld [smem:$0x0];
	_ =	sdelay $0x2  }
0xb9: {  	s31 =	sshll.u32 s1, $0xD;
	s1 =	sshrl.u32 s1, $0x2  }
0xba: {  	s3 =	sand.u32 $0x4000, s31;
	s1 =	sadd.s32 s1, s30  }
0xbb: {  	s0 =	sor.u32 s3, s0;
	s1 =	sshll.u32 s1, $0x11  }
0xbc: {  	s0 =	sor.u32 s1, s0  }
0xbd: {  	s0 =	sadd.s32 $0x8F2B, s0  }
0xbe: {  	[sflag:s0] =	ssyncadd.remote.s32 $0x1  }
0xbf: {  	_ =	sfence.sel $0xFFFF  }
0xc0: {  	[dreg:$0x0] =	wrdreg $0xFFFFFFFF;
	(pc) =	sbr.abs _section_cstart, $3  }
0xc1: {  	[dreg:$0x1] =	wrdreg $0xFFFFFFFF  }
0xc2: {  	_ =	task.clear_ibuf [dreg:s7], $0x2FFFF;
	_ =	strace $0x9FFFFFFF  }
0xc3: {  	(tm) =	ssettm $0x7FFFFFFF  }
tec
execute0_lowered:
.L_overlay_start_1:
0x0: {  	(tag) =	ssettag $0x1  }
0x1: {  	s4 =	rddreg [dreg:$0x0]  }
0x2: {  	s5 =	rddreg [dreg:$0x1]  }
0x3: {  	s10 =	rddreg [dreg:$0x2]  }
0x4: {  	s0 =	rddreg [dreg:$0x3];
	s3 =	srdreg.scid  }
0x5: {  	s1 =	stileid.u32;
	s2 =	simm.s32 $0x0;
	s16 =	simm.s32 $0x280  }
0x6: {  	s17 =	simm.s32 $0x500;
	s19 =	simm.s32 $0x580;
	s20 =	simm.s32 $0x0  }
0x7: {  	s3 =	sand.u32 $0x1, s3;
	s6 =	sshll.u32 s1, $0x3;
	[smem:$0x7FF] =	sst s2  }
0x8: {  	s18 =	sand.u32 $0x1, s1;
	s13 =	sshll.u32 s1, $0x4;
	s31 =	sshll.u32 s1, $0x8  }
0x9: {  	s7 =	sshll.u32 s3, $0x9;
	s6 =	sand.u32 $0x70, s6;
	_ =	strace $0x80000047  }
0xa: {  	s8 =	sshll.u32 s3, $0xC;
	s9 =	ssub.s32 $0x2, s3;
	s3 =	sadd.s32 $0xE00, s4  }
0xb: {  	s14 =	sand.u32 $0x70, s13;
	s15 =	sand.u32 $0x800, s31;
	p0 =	seq.s32 s18, $0x0  }
0xc: {  	v0 =	vimm.s32 $0x87654321;
	s6 =	sor.u32 s7, s6;
	s11 =	sadd.s32 s8, s4;
	s30 =	sshrl.u32 s9, $0x1  }
0xd: {  	v1 =	vimm.s32 $0x76543210;
	v0 =	vunpack.c.l.s4.s8 v0;
	s8 =	sshll.u32 s18, $0x8;
	s7 =	sadd.s32 s6, s4;
	s12 =	ssub.s32 s9, s30  }
0xe: {  	v1 =	vunpack.c.l.s4.s8 v1;
	s5 =	sadd.s32 s5, s6;
	s6 =	sshll.u32 s18, $0x2;
	s11 =	sadd.s32 s14, s11  }
0xf: {  	v0 =	vunpack.c.0.s8.s32 v0;
	s9 =	sadd.s32 s13, s10;
	s13 =	sxor.u32 $0x10, s13;
	s14 =	simm.s32 $0x400  }
0x10: {  	v2 =	vunpack.c.0.s8.s32 v1;
	s18 =	simm.s32 $0xD80;
	s4 =	sadd.s32 $0xA00, s7;
	s7 =	ssub.s32 $0x80, s6  }
0x11: {  	v1 =	vlaneseq.u32;
	s11 =	sadd.s32 s15, s11;
	s10 =	sadd.s32 s13, s10;
	s12 =	smax.u32 s12, $0x1;
	v3 =	vand.u32 $0xF, v0  }
0x12: {  	v1 =	vshrl.u32 v1, $0x3;
	s13 =	simm.s32 $0x80;
	s15 =	simm.s32 $0x1;
	v0 =	vimm.f32 $-1.000000020e+30;
	s11 =	sadd.s32 $0x1000, s11;
	v2 =	vcombine.low v2, v3  }
.LBB2_1:
0x13: {  	[tilespmem:$0x200] =	vst v0  }
0x14: {  	[tilespmem:s2], [sflag:$0x1] =	stream.strided.gather [hbm4b:s4+s13], $0x200, s14, s13, $0x38;
	[tilespmem:$0xE10] =	vst v63  }
0x15: {  	_ =	swait.ge [sflag:s15], $0x200  }
0x16: {  	[sflag:s15] =	ssyncset.done $0x0  }
0x17: {  	[sflag:s15] =	ssyncadd.s32 $0xFFFFFE00  }
0x18: {  	[tilespmem:s16], [sflag:$0x1] =	stream.strided.gather [hbm4b:s5+s13], $0x200, s14, s13, $0x38;
	[tilespmem:$0xE10] =	vst v63  }
0x19: {  	_ =	swait.ge [sflag:s15], $0x200  }
0x1a: {  	p3 =	seq.s32 s7, $0x1;
	[sflag:s15] =	ssyncset.done $0x0  }
.Ltmp0:
0x1b: {  	[sflag:s15] =	ssyncadd.s32 $0xFFFFFE00;
	(pc) =	sbr.rel @p3 .LBB2_2-.Ltmp0, $4  }
0x1c: {  	[tilespmem:s17], [sflag:$0x1] =	stream.linear.gather [hbm4b:s3+s2], $0x80, $0x38;
	[tilespmem:$0xE10] =	vst v63  }
0x1d: {  	_ =	swait.ge [sflag:s15], $0x80  }
0x1e: {  	s22 =	sadd.s32 $0xFFFFFFFF, s7;
	[sflag:s15] =	ssyncset.done $0x0  }
0x1f: {  	v3 =	vimm.f32 $0.0e+00;
	v6 =	vor.u32 s8, v1;
	p1 =	por $0x0, $0x0;
	p2 =	por $0x0, $0x0;
	v5 =	vadd.s32 s8, v2;
	[sflag:s15] =	ssyncadd.s32 $0xFFFFFF80  }
0x20: {  	_ =	sdelay $0x3  }
0x21: {  	v4 =	vld.idx.msk [tilespmem:v5+s16+$0x0], $0xffff  }
0x22: {  	v5 =	vld.idx.msk [tilespmem:v6+s2+$0x0], $0xffff;
	_ =	sdelay $0x3  }
0x23: {  	p3 =	seq.s32 s22, $0x1  }
.Ltmp1:
0x24: {  	v4 =	vadd.f32 v4, v5;
	(pc) =	sbr.rel @p3 .LBB2_7-.Ltmp1, $4  }
0x25: {  	_ = 	snop  }
0x26: {  	v4 =	vmul.f32 $1.442695020e+00, v4  }
0x27: {  	s21 =	sadd.s32 $0x2, s8  }
0x28: {  	s23 =	sadd.s32 $0xFFFFFFFF, s22;
	p1 =	por $0x1, $0x1;
	v6 =	vor.u32 s21, v1;
	v5 =	vadd.s32 s21, v2;
	(erf) = vpow2.f32 v4  }
0x29: {  	_ =	sdelay $0x7  }
0x2a: {  	v4 =	vpop (erf)  }
0x2b: {  	[tilespmem:s19+$0x0] =	vst v4  }
0x2c: {  	v5 =	vld.idx.msk [tilespmem:v5+s16+$0x0], $0xffff  }
0x2d: {  	v6 =	vld.idx.msk [tilespmem:v6+s2+$0x0], $0xffff;
	_ =	sdelay $0x4  }
0x2e: {  	v5 =	vadd.f32 v5, v6;
	_ =	sdelay $0x1  }
0x2f: {  	v5 =	vmul.f32 $1.442695020e+00, v5;
	_ =	sdelay $0x1  }
0x30: {  	(erf) = vpow2.f32 v5;
	_ =	sdelay $0x1  }
0x31: {  	p3 =	seq.s32 s23, $0x1  }
.Ltmp2:
0x32: {  	_ = 	snop;
	(pc) =	sbr.rel @p3 .LBB2_9-.Ltmp2, $4  }
0x33: {  	_ = 	snop  }
0x34: {  	s22 =	sadd.s32 $0x2, s21  }
0x35: {  	v5 =	vadd.s32 s22, v2  }
0x36: {  	s23 =	sadd.s32 $0xFFFFFFFF, s23;
	p2 =	por $0x1, $0x1;
	s21 =	simm.s32 $0x580;
	v4 =	vadd.f32 v4, v3;
	v6 =	vor.u32 s22, v1  }
.LBB2_10:
0x37: {  	p3 =	seq.s32 s23, $0x1  }
0x38: {  	s21 =	sadd.s32 $0x10, s21;
	v7 =	vpop (erf)  }
0x39: {  	[tilespmem:s21+$0x0] =	vst v7;
	v4 =	vadd.f32 v7, v4  }
0x3a: {  	v5 =	vld.idx.msk [tilespmem:v5+s16+$0x0], $0xffff  }
0x3b: {  	v6 =	vld.idx.msk [tilespmem:v6+s2+$0x0], $0xffff;
	_ =	sdelay $0x5  }
0x3c: {  	v5 =	vadd.f32 v5, v6;
	_ =	sdelay $0x1  }
0x3d: {  	v5 =	vmul.f32 $1.442695020e+00, v5;
	_ =	sdelay $0x1  }
0x3e: {  	(erf) = vpow2.f32 v5;
	_ =	sdelay $0x2  }
.Ltmp3:
0x3f: {  	(pc) =	sbr.rel @!p3 .LBB2_10-.Ltmp3, $4  }
0x40: {  	_ = 	snop  }
0x41: {  	s22 =	sadd.s32 $0x2, s22  }
0x42: {  	v5 =	vadd.s32 s22, v2  }
0x43: {  	s23 =	sadd.s32 $0xFFFFFFFF, s23;
	v6 =	vor.u32 s22, v1  }
.LBB2_11:
0x44: {  	_ = 	snop  }
0x45: {  	s21 =	sadd.s32 @p2 $0x10, s21;
	s22 =	simm.s32 $0x580  }
0x46: {  	v7 =	vpop @p1 (erf);
	s22 =	smov.u32 @p2 s21  }
0x47: {  	[tilespmem:s22+$0x0] =	vst @p1 v7  }
0x48: {  	v5 =	vld.idx.msk [tilespmem:v5+s16+$0x0], $0xffff  }
0x49: {  	v6 =	vld.idx.msk [tilespmem:v6+s2+$0x0], $0xffff;
	_ =	sdelay $0x4  }
0x4a: {  	v5 =	vadd.f32 v5, v6;
	_ =	sdelay $0x1  }
0x4b: {  	v5 =	vmul.f32 $1.442695020e+00, v5;
	_ =	sdelay $0x1  }
0x4c: {  	(erf) = vpow2.f32 v5;
	_ =	sdelay $0x4  }
0x4d: {  	v4 =	vadd.f32 @p1 v7, v4;
	_ =	sdelay $0x2  }
0x4e: {  	s21 =	sadd.s32 @p1 $0x10, s22;
	s22 =	simm.s32 $0x580  }
0x4f: {  	s22 =	smov.u32 @p1 s21;
	v3 =	vpsel p1, v4, v3;
	v4 =	vpop (erf)  }
0x50: {  	[tilespmem:s22+$0x0] =	vst v4;
	v3 =	vadd.f32 v4, v3  }
.Ltmp4:
0x51: {  	(pc) =	sbr.rel @p0 .LBB2_16-.Ltmp4, $1  }
0x52: {  	_ =	sdelay $0x3  }
0x53: {  	p2 =	sne.s32 s6, $0x1  }
.Ltmp5:
0x54: {  	_ = 	snop;
	(pc) =	sbr.rel @!p2 .LBB2_5-.Ltmp5, $4  }
0x55: {  	_ = 	snop  }
0x56: {  	s22 =	simm.s32 $0x540  }
0x57: {  	v4 =	vld [tilespmem:s22+$0xFFFFFFC0]  }
0x58: {  	s21 =	simm.s32 $0xD40;
	p1 =	por $0x0, $0x0;
	v5 =	vld [tilespmem:s22+$0x0];
	s22 =	sadd.s32 $0xFFFFFFFF, s6  }
0x59: {  	_ =	sdelay $0x6  }
0x5a: {  	v4 =	vld.idx.msk [tilespmem:v4+s2+$0x0], $0xffff  }
0x5b: {  	v5 =	vld.idx.msk [tilespmem:v5+s16+$0x0], $0xffff;
	_ =	sdelay $0x4  }
0x5c: {  	v4 =	vadd.f32 v5, v4;
	_ =	sdelay $0x1  }
0x5d: {  	v4 =	vmul.f32 $1.442695020e+00, v4;
	_ =	sdelay $0x1  }
0x5e: {  	(erf) = vpow2.f32 v4;
	_ =	sdelay $0x6  }
0x5f: {  	p2 =	sne.s32 s22, $0x1  }
.Ltmp6:
0x60: {  	_ = 	snop;
	(pc) =	sbr.rel @!p2 .LBB2_13-.Ltmp6, $4  }
0x61: {  	v5 =	vpop (erf)  }
0x62: {  	s23 =	simm.s32 $0x550;
	[tilespmem:s21+$0x0] =	vst v5  }
0x63: {  	v4 =	vld [tilespmem:s23+$0xFFFFFFC0]  }
0x64: {  	s24 =	sadd.s32 $0xFFFFFFFF, s22;
	p1 =	por $0x1, $0x1;
	s22 =	simm.s32 $0xD40;
	v3 =	vadd.f32 v5, v3;
	v5 =	vld [tilespmem:s23+$0x0]  }
.LBB2_14:
0x65: {  	p2 =	sne.s32 s24, $0x1;
	_ =	sdelay $0x5  }
0x66: {  	v4 =	vld.idx.msk [tilespmem:v4+s2+$0x0], $0xffff  }
0x67: {  	v5 =	vld.idx.msk [tilespmem:v5+s16+$0x0], $0xffff;
	_ =	sdelay $0x5  }
0x68: {  	v4 =	vadd.f32 v5, v4;
	_ =	sdelay $0x1  }
0x69: {  	v4 =	vmul.f32 $1.442695020e+00, v4;
	_ =	sdelay $0x1  }
0x6a: {  	(erf) = vpow2.f32 v4;
	_ =	sdelay $0x7  }
.Ltmp7:
0x6b: {  	(pc) =	sbr.rel @p2 .LBB2_14-.Ltmp7, $4  }
0x6c: {  	s22 =	sadd.s32 $0x10, s22;
	v4 =	vpop (erf)  }
0x6d: {  	s23 =	sadd.s32 $0x10, s23;
	[tilespmem:s22+$0x0] =	vst v4;
	v3 =	vadd.f32 v4, v3  }
0x6e: {  	v4 =	vld [tilespmem:s23+$0xFFFFFFC0]  }
0x6f: {  	s24 =	sadd.s32 $0xFFFFFFFF, s24;
	v5 =	vld [tilespmem:s23+$0x0]  }
.LBB2_15:
0x70: {  	_ =	sdelay $0x6  }
0x71: {  	v4 =	vld.idx.msk [tilespmem:v4+s2+$0x0], $0xffff  }
0x72: {  	v5 =	vld.idx.msk [tilespmem:v5+s16+$0x0], $0xffff;
	_ =	sdelay $0x4  }
0x73: {  	v4 =	vadd.f32 v5, v4;
	_ =	sdelay $0x1  }
0x74: {  	v4 =	vmul.f32 $1.442695020e+00, v4;
	_ =	sdelay $0x1  }
0x75: {  	(erf) = vpow2.f32 v4;
	_ =	sdelay $0x7  }
0x76: {  	s22 =	sadd.s32 @p1 $0x10, s22  }
0x77: {  	s21 =	smov.u32 @p1 s22;
	v4 =	vpop (erf)  }
0x78: {  	[tilespmem:s21+$0x0] =	vst v4;
	v3 =	vadd.f32 v4, v3  }
.LBB2_16:
0x79: {  	_ = 	snop  }
0x7a: {  	[tilespmem:$0xD80] =	vst v3  }
0x7b: {  	[spmem:s9] =	stream.linear.scatter [tilespmem:s18], [sflag:$0x1], $0x10, $0x38;
	[tilespmem:$0xE10] =	vst v63  }
0x7c: {  	_ =	swait.ge [sflag:s15], $0x10  }
0x7d: {  	[sflag:s15] =	ssyncset.done $0x0  }
0x7e: {  	[sflag:s15] =	ssyncadd.s32 $0xFFFFFFF0  }
0x7f: {  	[bflag:$0x0] =	sbarrier.arrive $0xFFFF  }
0x80: {  	[tilespmem:s18], [sflag:$0x1] =	stream.linear.gather [spmem:s10], $0x10, $0x38;
	[tilespmem:$0xE10] =	vst v63  }
0x81: {  	_ =	swait.ge [sflag:s15], $0x10  }
0x82: {  	[sflag:s15] =	ssyncset.done $0x0  }
0x83: {  	[sflag:s15] =	ssyncadd.s32 $0xFFFFFFF0  }
0x84: {  	v4 =	vld [tilespmem:$0xD80];
	_ =	sdelay $0x4  }
0x85: {  	v3 =	vadd.f32 v4, v3;
	_ =	sdelay $0x1  }
0x86: {  	(xrf2) =	vadd.scan.msk.f32 $0xffff, v3;
	_ =	sdelay $0x9  }
0x87: {  	v3, _, _ =	vpop (xrf2)  }
0x88: {  	v3 =	vbroadcast v3, $0xF;
	_ =	sdelay $0x1  }
0x89: {  	(erf) = vrcp.f32 v3;
	_ =	sdelay $0x8  }
0x8a: {  	s21 =	simm.s32 $0x0;
	s22 =	simm.s32 $0x40;
	v3 =	vpop (erf)  }
.LBB2_17:
0x8b: {  	p1 =	sne.s32 s22, $0x1FC0;
	v4 =	vld [tilespmem:s21+$0x580];
	_ =	sdelay $0x2  }
.Ltmp8:
0x8c: {  	(pc) =	sbr.rel @p1 .LBB2_17-.Ltmp8, $3  }
0x8d: {  	_ = 	snop  }
0x8e: {  	v4 =	vmul.f32 v4, v3;
	_ =	sdelay $0x1  }
0x8f: {  	[tilespmem:s21+$0x580] =	vst v4;
	s21 =	sshra.s32 s22, $0x2;
	s22 =	sadd.s32 $0x40, s22  }
0x90: {  	v4 =	vld [tilespmem:s21+$0x580];
	_ =	sdelay $0x4  }
0x91: {  	v3 =	vmul.f32 v4, v3  }
0x92: {  	s20 =	sadd.s32 $0x1, s20  }
0x93: {  	p1 =	sne.s32 s20, s12;
	[tilespmem:s21+$0x580] =	vst v3  }
0x94: {  	[hbm4b:s11+s13] =	stream.strided.scatter [tilespmem:s19], [sflag:$0x1], $0x800, s14, s13, $0x38;
	[tilespmem:$0xE10] =	vst v63  }
.Ltmp9:
0x95: {  	_ = 	snop;
	(pc) =	sbr.rel @p1 .LBB2_1-.Ltmp9, $4  }
.Ltmp10:
0x96: {  	_ = 	snop;
	(pc) =	sbr.rel @!p1 .LBB2_19-.Ltmp10, $4  }
0x97: {  	_ =	swait.ge [sflag:s15], $0x800  }
0x98: {  	[sflag:s15] =	ssyncset.done $0x0  }
0x99: {  	[sflag:s15] =	ssyncadd.s32 $0xFFFFF800  }
0x9a: {  	_ = 	snop  }
.LBB2_2:
.Ltmp11:
0x9b: {  	(pc) =	sbr.rel .LBB2_11-.Ltmp11, $2  }
0x9c: {  	_ =	sdelay $0x2  }
0x9d: {  	s21 =	simm.s32 $0x580;
	v4 =	vimm.f32 $0.0e+00  }
.LBB2_7:
.Ltmp12:
0x9e: {  	(pc) =	sbr.rel .LBB2_11-.Ltmp12, $2  }
0x9f: {  	_ =	sdelay $0x2  }
0xa0: {  	s21 =	simm.s32 $0x580;
	v4 =	vimm.f32 $0.0e+00  }
.LBB2_9:
.Ltmp13:
0xa1: {  	(pc) =	sbr.rel .LBB2_11-.Ltmp13, $2  }
0xa2: {  	_ =	sdelay $0x2  }
0xa3: {  	s21 =	simm.s32 $0x580  }
.LBB2_5:
.Ltmp14:
0xa4: {  	(pc) =	sbr.rel .LBB2_15-.Ltmp14, $2  }
0xa5: {  	_ =	sdelay $0x2  }
0xa6: {  	s22 =	simm.s32 $0xD40  }
.LBB2_13:
.Ltmp15:
0xa7: {  	(pc) =	sbr.rel .LBB2_15-.Ltmp15, $2  }
0xa8: {  	_ =	sdelay $0x2  }
0xa9: {  	s22 =	simm.s32 $0xD40  }
.LBB2_19:
0xaa: {  	_ =	sfence.sel $0x180000  }
0xab: {  	[bflag:$0x0] =	sbarrier.arrive $0xFFFF  }
0xac: {  	p0 =	sne.s32 s1, $0x0;
	_ =	strace $0x90000047  }
0xad: {  	s0 =	sadd.s32 @!p0 $0x100000, s0;
	[bflag:$0x2] =	sbarrier.arrive $0xFFFF  }
0xae: {  	[sflag:s0] =	ssyncadd.tile.s32 @!p0 $0x1;
	_ =	shalt  }
.Lfunc_end2:
_tile_overlayer_lowered:
.L_overlay_start_2:
0xaf: {  	(tag) =	ssettag $0x2  }
0xb0: {  	s0 =	rddreg [dreg:$0x0];
	s2 =	stileid.u32  }
0xb1: {  	s1 =	rddreg [dreg:$0x1];
	p0 =	sne.s32 s2, $0x0  }
0xb2: {  	s3 =	rddreg [dreg:$0x2];
	[bflag:$0x3] =	sbarrier.arrive $0xFFFF;
	s2 =	simm.s32 @!p0 $0x1C01  }
0xb3: {  	[timem:s3], [sflag:s2] =	dma.local @!p0 [hbm:s0], s1  }
0xb4: {  	s0 =	simm.s32 @!p0 $0x1  }
0xb5: {  	_ =	swait.ge @!p0 [sflag:s0], s1  }
0xb6: {  	s1 =	ssub.s32 @!p0 $0x0, s1;
	[sflag:s0] =	ssyncset.done @!p0 $0x0  }
0xb7: {  	[sflag:s0] =	ssyncadd.s32 @!p0 s1  }
0xb8: {  	[bflag:$0x3] =	sbarrier.arrive $0xFFFF  }
0xb9: {  	_ =	shalt  }

</sc_bundles>
